<compile_context>
chip_gen: v7x
topology: tpu7x:2x2x1
jax: 0.10.2.dev20260603
libtpu: 0.0.44.dev20260713+nightly
codegen_flags: <defaults>
</compile_context>

<pallas_src>
import functools

import jax
import jax.numpy as jnp
from jax import lax
from jax.experimental import pallas as pl
from jax.experimental.pallas import tpu as pltpu
from jax.experimental.pallas import tpu_sc as plsc

_N_EMB = 1024
_DIM = 64
_ROWS = 9216
_TILE = 1024
_N_TILES = _ROWS // _TILE

_NW = 32
_B_PER_W = _ROWS // _NW
_CHUNK = 96
_N_CHUNK = _B_PER_W // _CHUNK


def _vq_tc_body(x_ref, emb_ref, idx_ref, loss_ref, emb_c_ref):
    emb = emb_ref[...]
    emb_t = emb.T
    b = jnp.sum(emb_t * emb_t, axis=0, keepdims=True)
    xt_all = x_ref[...].reshape(_ROWS, _DIM)
    loss = jnp.zeros((1, 1), jnp.float32)
    for i in range(_N_TILES):
        xt = lax.slice(xt_all, (i * _TILE, 0), ((i + 1) * _TILE, _DIM))
        a = jnp.sum(xt * xt, axis=1, keepdims=True)
        c2 = lax.dot_general(xt + xt, emb_t, (((1,), (0,)), ((), ())),
                             preferred_element_type=jnp.float32)
        d = (a + b) - c2
        m = jnp.min(d, axis=1, keepdims=True)
        iota = lax.broadcasted_iota(jnp.int32, d.shape, 1)
        cand = jnp.where(d == m, iota, _N_EMB)
        s = [lax.slice(cand, (0, 128 * k), (_TILE, 128 * (k + 1)))
             for k in range(8)]
        p = jnp.minimum(jnp.minimum(jnp.minimum(s[0], s[1]),
                                    jnp.minimum(s[2], s[3])),
                        jnp.minimum(jnp.minimum(s[4], s[5]),
                                    jnp.minimum(s[6], s[7])))
        idx_row = jnp.min(p.T, axis=0, keepdims=True)
        idx_ref[pl.ds(_TILE // 128 * i, _TILE // 128), :] = idx_row.reshape(_TILE // 128, 128)
        loss = loss + jnp.sum(m, keepdims=True)
    loss_ref[...] = loss * (1.25 / (_ROWS * _DIM))

    rr = lax.broadcasted_iota(jnp.int32, (_N_EMB // 2, _N_EMB), 0)
    cc = lax.broadcasted_iota(jnp.int32, (_N_EMB // 2, _N_EMB), 1)
    s_even = (cc == rr + rr).astype(jnp.float32)
    s_odd = (cc == rr + rr + 1).astype(jnp.float32)
    dn = (((1,), (0,)), ((), ()))
    even = lax.dot_general(s_even, emb, dn,
                           preferred_element_type=jnp.float32)
    odd = lax.dot_general(s_odd, emb, dn,
                          preferred_element_type=jnp.float32)
    emb_c_ref[...] = jnp.concatenate([even, odd], axis=1)


def _distances_argmin_loss(x, emb):
    return pl.pallas_call(
        _vq_tc_body,
        in_specs=[
            pl.BlockSpec(x.shape, lambda: (0, 0, 0)),
            pl.BlockSpec((_N_EMB, _DIM), lambda: (0, 0)),
        ],
        out_specs=[
            pl.BlockSpec((_ROWS // 128, 128), lambda: (0, 0)),
            pl.BlockSpec((1, 1), lambda: (0, 0)),
            pl.BlockSpec((_N_EMB // 2, 2 * _DIM), lambda: (0, 0)),
        ],
        out_shape=[
            jax.ShapeDtypeStruct((_ROWS // 128, 128), jnp.int32),
            jax.ShapeDtypeStruct((1, 1), jnp.float32),
            jax.ShapeDtypeStruct((_N_EMB // 2, 2 * _DIM), jnp.float32),
        ],
    )(x, emb)


@functools.cache
def _make_sc_gather():
    @functools.partial(
        pl.kernel,
        mesh=plsc.VectorSubcoreMesh(core_axis_name="c", subcore_axis_name="s"),
        out_type=jax.ShapeDtypeStruct((16, 576, _DIM), jnp.float32),
        scratch_types=[
            pltpu.VMEM((_N_CHUNK, _CHUNK), jnp.int32),
            pltpu.VMEM((_B_PER_W, _DIM), jnp.float32),
            pltpu.SemaphoreType.DMA,
        ],
        compiler_params=pltpu.CompilerParams(use_tc_tiling_on_sc=False),
    )
    def _sc_gather(table_hbm, idx_hbm, out_hbm, idx_v, rows_v, sem):
        wid = lax.axis_index("s") * 2 + lax.axis_index("c")
        pltpu.sync_copy(idx_hbm.at[wid], idx_v)
        copies = [
            pltpu.async_copy(table_hbm.at[idx_v.at[c]],
                             rows_v.at[pl.ds(c * _CHUNK, _CHUNK)], sem)
            for c in range(_N_CHUNK)
        ]
        for cp in copies:
            cp.wait()
        pltpu.sync_copy(
            rows_v,
            out_hbm.at[wid // 2, pl.ds((wid % 2) * _B_PER_W, _B_PER_W)])

    return _sc_gather


def kernel(x, emb_weight):
    idx, loss, emb_c = _distances_argmin_loss(x, emb_weight)
    idx3 = idx.reshape(_NW, _N_CHUNK, _CHUNK)
    quantized = _make_sc_gather()(emb_c.reshape(_N_EMB, _DIM), idx3)
    return quantized, loss.reshape(())

# --- scband reference (transcript-rebuilt; emitter-appended) ---
"""Pipeline reference for scband-vector-quantizer-6786048328309 (READ-ONLY COPY).

The authoritative reference and input builder live on the scoring server;
editing this copy changes nothing except your own understanding.
"""

import jax, jax.numpy as jnp
import numpy as np

NUM_EMBEDDINGS = 1024
EMBEDDING_DIM = 64
COMMITMENT_COST = 0.25


def setup_inputs(seed: int = 0) -> dict:
    key = jax.random.key(seed)
    k_x, k_w = jax.random.split(key)
    x = jax.random.normal(k_x, (16, 576, EMBEDDING_DIM), dtype=jnp.float32)
    emb_weight = jax.random.uniform(
        k_w, (NUM_EMBEDDINGS, EMBEDDING_DIM), dtype=jnp.float32,
        minval=-1.0 / NUM_EMBEDDINGS, maxval=1.0 / NUM_EMBEDDINGS)
    return {"x": x, "emb_weight": emb_weight}


def reference(x, emb_weight):
    flat_x = x.reshape(-1, EMBEDDING_DIM)
    distances = (jnp.sum(flat_x ** 2, axis=1, keepdims=True)
                 + jnp.sum(emb_weight ** 2, axis=1)
                 - 2.0 * jnp.matmul(flat_x, emb_weight.T))
    encoding_indices = jnp.argmin(distances, axis=1)
    encodings = jax.nn.one_hot(encoding_indices, NUM_EMBEDDINGS, dtype=flat_x.dtype)
    quantized = jnp.matmul(encodings, emb_weight)
    quantized = quantized.reshape(x.shape)
    commitment_loss = jnp.mean((jax.lax.stop_gradient(quantized) - x) ** 2)
    codebook_loss = jnp.mean((quantized - jax.lax.stop_gradient(x)) ** 2)
    vq_loss = codebook_loss + COMMITMENT_COST * commitment_loss
    quantized_st = x + jax.lax.stop_gradient(quantized - x)
    return (quantized_st, vq_loss)

if __name__ == "__main__":
    import jax
    _d = setup_inputs()
    print(jax.jit(kernel)(*tuple(_d.values())))

</pallas_src>

<mosaic_0001>
#map = affine_map<(d0, d1) -> (0, 0)>
#map1 = affine_map<(d0, d1) -> (0, 0, 0)>
module attributes {stable_mosaic.version = 14 : i64} {
  func.func @_sc_gather(%arg0: i32, %arg1: i32, %arg2: memref<1024x64xf32, #tpu.memory_space<hbm>>, %arg3: memref<32x3x96xi32, #tpu.memory_space<hbm>>, %arg4: memref<16x576x64xf32, #tpu.memory_space<hbm>>, %arg5: memref<3x96xi32, #tpu.memory_space<vmem>>, %arg6: memref<288x64xf32, #tpu.memory_space<vmem>>, %arg7: memref<!tpu.dma_semaphore, #tpu.memory_space<semaphore_mem>>) attributes {dimension_semantics = [#tpu.dimension_semantics<core_parallel>, #tpu.dimension_semantics<subcore_parallel>], iteration_bounds = array<i64: 2, 16>, scalar_prefetch = 0 : i64, scratch_operands = 3 : i64, tpu.core_type = #tpu.core_type<sc_vector_subcore>, window_params = [{transform_indices = #map}, {transform_indices = #map1}, {transform_indices = #map1}]} {
    %mul3A = arith.constant 2 : i32
    %mul3A_0 = arith.muli %arg1, %mul3A : i32
    %add3A = arith.addi %mul3A_0, %arg0 : i32
    "tpu.region"() ({
      %run_scoped3A = tpu.sem_alloc : memref<!tpu.dma_semaphore, #tpu.memory_space<semaphore_mem>>
      %dma_start3A_91 = arith.constant 0 : i32
      %dma_start3A_92 = arith.constant 0 : i32
      %dma_start3A_93 = tpu.memref_slice %arg3[%add3A, %dma_start3A_91, %dma_start3A_92] : memref<32x3x96xi32, #tpu.memory_space<hbm>> -> memref<1x3x96xi32, #tpu.memory_space<hbm>>
      %dma_start3A_94 = tpu.memref_squeeze %dma_start3A_93 : memref<1x3x96xi32, #tpu.memory_space<hbm>> -> memref<3x96xi32, #tpu.memory_space<hbm>>
      %dma_start3A_95 = arith.constant 0 : i32
      %dma_start3A_96 = arith.constant 0 : i32
      %dma_start3A_97 = tpu.memref_slice %arg3[%add3A, %dma_start3A_95, %dma_start3A_96] : memref<32x3x96xi32, #tpu.memory_space<hbm>> -> memref<1x3x96xi32, #tpu.memory_space<hbm>>
      %dma_start3A_98 = tpu.memref_squeeze %dma_start3A_97 : memref<1x3x96xi32, #tpu.memory_space<hbm>> -> memref<3x96xi32, #tpu.memory_space<hbm>>
      tpu.enqueue_dma source(%dma_start3A_98 : memref<3x96xi32, #tpu.memory_space<hbm>>) target(%arg5 : memref<3x96xi32, #tpu.memory_space<vmem>>) target_semaphore(%run_scoped3A : memref<!tpu.dma_semaphore, #tpu.memory_space<semaphore_mem>>)
      %dma_wait3A_99 = arith.constant 0 : i32
      %dma_wait3A_100 = arith.constant 0 : i32
      %dma_wait3A_101 = tpu.memref_slice %arg3[%add3A, %dma_wait3A_99, %dma_wait3A_100] : memref<32x3x96xi32, #tpu.memory_space<hbm>> -> memref<1x3x96xi32, #tpu.memory_space<hbm>>
      %dma_wait3A_102 = tpu.memref_squeeze %dma_wait3A_101 : memref<1x3x96xi32, #tpu.memory_space<hbm>> -> memref<3x96xi32, #tpu.memory_space<hbm>>
      %dma_wait3A_103 = arith.constant 0 : i32
      %dma_wait3A_104 = arith.constant 0 : i32
      %dma_wait3A_105 = tpu.memref_slice %arg3[%add3A, %dma_wait3A_103, %dma_wait3A_104] : memref<32x3x96xi32, #tpu.memory_space<hbm>> -> memref<1x3x96xi32, #tpu.memory_space<hbm>>
      %dma_wait3A_106 = tpu.memref_squeeze %dma_wait3A_105 : memref<1x3x96xi32, #tpu.memory_space<hbm>> -> memref<3x96xi32, #tpu.memory_space<hbm>>
      tpu.wait_dma2 semaphore(%run_scoped3A : memref<!tpu.dma_semaphore, #tpu.memory_space<semaphore_mem>>) src(%dma_wait3A_106 : memref<3x96xi32, #tpu.memory_space<hbm>>) dst(%arg5 : memref<3x96xi32, #tpu.memory_space<vmem>>)
      tpu.yield
    }) : () -> ()
    %dma_start3A = arith.constant 0 : i32
    %dma_start3A_1 = arith.constant 0 : i32
    %dma_start3A_2 = arith.constant 0 : i32
    %dma_start3A_3 = tpu.memref_slice %arg6[%dma_start3A_1, %dma_start3A_2] : memref<288x64xf32, #tpu.memory_space<vmem>> -> memref<96x64xf32, #tpu.memory_space<vmem>>
    %dma_start3A_4 = arith.constant 0 : i32
    %dma_start3A_5 = tpu.memref_slice %arg5[%dma_start3A, %dma_start3A_4] : memref<3x96xi32, #tpu.memory_space<vmem>> -> memref<1x96xi32, #tpu.memory_space<vmem>>
    %dma_start3A_6 = tpu.memref_squeeze %dma_start3A_5 : memref<1x96xi32, #tpu.memory_space<vmem>> -> memref<96xi32, #tpu.memory_space<vmem>>
    %dma_start3A_7 = arith.constant 0 : i32
    %dma_start3A_8 = arith.constant 0 : i32
    %dma_start3A_9 = tpu.memref_slice %arg2[%dma_start3A_7, %dma_start3A_8] : memref<1024x64xf32, #tpu.memory_space<hbm>> -> memref<1024x64xf32, #tpu.memory_space<hbm>>
    tpu.enqueue_indirect_dma source(%dma_start3A_9 : memref<1024x64xf32, #tpu.memory_space<hbm>>) target(%dma_start3A_3 : memref<96x64xf32, #tpu.memory_space<vmem>>) offsets(%dma_start3A_6 : memref<96xi32, #tpu.memory_space<vmem>>) semaphore(%arg7 : memref<!tpu.dma_semaphore, #tpu.memory_space<semaphore_mem>>)
    %dma_start3A_10 = arith.constant 1 : i32
    %dma_start3A_11 = arith.constant 96 : i32
    %dma_start3A_12 = arith.constant 0 : i32
    %dma_start3A_13 = tpu.memref_slice %arg6[%dma_start3A_11, %dma_start3A_12] : memref<288x64xf32, #tpu.memory_space<vmem>> -> memref<96x64xf32, #tpu.memory_space<vmem>>
    %dma_start3A_14 = arith.constant 0 : i32
    %dma_start3A_15 = tpu.memref_slice %arg5[%dma_start3A_10, %dma_start3A_14] : memref<3x96xi32, #tpu.memory_space<vmem>> -> memref<1x96xi32, #tpu.memory_space<vmem>>
    %dma_start3A_16 = tpu.memref_squeeze %dma_start3A_15 : memref<1x96xi32, #tpu.memory_space<vmem>> -> memref<96xi32, #tpu.memory_space<vmem>>
    %dma_start3A_17 = arith.constant 0 : i32
    %dma_start3A_18 = arith.constant 0 : i32
    %dma_start3A_19 = tpu.memref_slice %arg2[%dma_start3A_17, %dma_start3A_18] : memref<1024x64xf32, #tpu.memory_space<hbm>> -> memref<1024x64xf32, #tpu.memory_space<hbm>>
    tpu.enqueue_indirect_dma source(%dma_start3A_19 : memref<1024x64xf32, #tpu.memory_space<hbm>>) target(%dma_start3A_13 : memref<96x64xf32, #tpu.memory_space<vmem>>) offsets(%dma_start3A_16 : memref<96xi32, #tpu.memory_space<vmem>>) semaphore(%arg7 : memref<!tpu.dma_semaphore, #tpu.memory_space<semaphore_mem>>)
    %dma_start3A_20 = arith.constant 2 : i32
    %dma_start3A_21 = arith.constant 192 : i32
    %dma_start3A_22 = arith.constant 0 : i32
    %dma_start3A_23 = tpu.memref_slice %arg6[%dma_start3A_21, %dma_start3A_22] : memref<288x64xf32, #tpu.memory_space<vmem>> -> memref<96x64xf32, #tpu.memory_space<vmem>>
    %dma_start3A_24 = arith.constant 0 : i32
    %dma_start3A_25 = tpu.memref_slice %arg5[%dma_start3A_20, %dma_start3A_24] : memref<3x96xi32, #tpu.memory_space<vmem>> -> memref<1x96xi32, #tpu.memory_space<vmem>>
    %dma_start3A_26 = tpu.memref_squeeze %dma_start3A_25 : memref<1x96xi32, #tpu.memory_space<vmem>> -> memref<96xi32, #tpu.memory_space<vmem>>
    %dma_start3A_27 = arith.constant 0 : i32
    %dma_start3A_28 = arith.constant 0 : i32
    %dma_start3A_29 = tpu.memref_slice %arg2[%dma_start3A_27, %dma_start3A_28] : memref<1024x64xf32, #tpu.memory_space<hbm>> -> memref<1024x64xf32, #tpu.memory_space<hbm>>
    tpu.enqueue_indirect_dma source(%dma_start3A_29 : memref<1024x64xf32, #tpu.memory_space<hbm>>) target(%dma_start3A_23 : memref<96x64xf32, #tpu.memory_space<vmem>>) offsets(%dma_start3A_26 : memref<96xi32, #tpu.memory_space<vmem>>) semaphore(%arg7 : memref<!tpu.dma_semaphore, #tpu.memory_space<semaphore_mem>>)
    %dma_wait3A = arith.constant 0 : i32
    %dma_wait3A_30 = arith.constant 0 : i32
    %dma_wait3A_31 = arith.constant 0 : i32
    %dma_wait3A_32 = tpu.memref_slice %arg6[%dma_wait3A_30, %dma_wait3A_31] : memref<288x64xf32, #tpu.memory_space<vmem>> -> memref<96x64xf32, #tpu.memory_space<vmem>>
    %dma_wait3A_33 = arith.constant 0 : i32
    %dma_wait3A_34 = tpu.memref_slice %arg5[%dma_wait3A, %dma_wait3A_33] : memref<3x96xi32, #tpu.memory_space<vmem>> -> memref<1x96xi32, #tpu.memory_space<vmem>>
    %dma_wait3A_35 = tpu.memref_squeeze %dma_wait3A_34 : memref<1x96xi32, #tpu.memory_space<vmem>> -> memref<96xi32, #tpu.memory_space<vmem>>
    %dma_wait3A_36 = arith.constant 0 : i32
    %dma_wait3A_37 = arith.constant 0 : i32
    %dma_wait3A_38 = tpu.memref_slice %arg2[%dma_wait3A_36, %dma_wait3A_37] : memref<1024x64xf32, #tpu.memory_space<hbm>> -> memref<1024x64xf32, #tpu.memory_space<hbm>>
    tpu.wait_indirect_dma semaphore(%arg7 : memref<!tpu.dma_semaphore, #tpu.memory_space<semaphore_mem>>) src(%dma_wait3A_38 : memref<1024x64xf32, #tpu.memory_space<hbm>>) dst(%dma_wait3A_32 : memref<96x64xf32, #tpu.memory_space<vmem>>)
    %dma_wait3A_39 = arith.constant 1 : i32
    %dma_wait3A_40 = arith.constant 96 : i32
    %dma_wait3A_41 = arith.constant 0 : i32
    %dma_wait3A_42 = tpu.memref_slice %arg6[%dma_wait3A_40, %dma_wait3A_41] : memref<288x64xf32, #tpu.memory_space<vmem>> -> memref<96x64xf32, #tpu.memory_space<vmem>>
    %dma_wait3A_43 = arith.constant 0 : i32
    %dma_wait3A_44 = tpu.memref_slice %arg5[%dma_wait3A_39, %dma_wait3A_43] : memref<3x96xi32, #tpu.memory_space<vmem>> -> memref<1x96xi32, #tpu.memory_space<vmem>>
    %dma_wait3A_45 = tpu.memref_squeeze %dma_wait3A_44 : memref<1x96xi32, #tpu.memory_space<vmem>> -> memref<96xi32, #tpu.memory_space<vmem>>
    %dma_wait3A_46 = arith.constant 0 : i32
    %dma_wait3A_47 = arith.constant 0 : i32
    %dma_wait3A_48 = tpu.memref_slice %arg2[%dma_wait3A_46, %dma_wait3A_47] : memref<1024x64xf32, #tpu.memory_space<hbm>> -> memref<1024x64xf32, #tpu.memory_space<hbm>>
    tpu.wait_indirect_dma semaphore(%arg7 : memref<!tpu.dma_semaphore, #tpu.memory_space<semaphore_mem>>) src(%dma_wait3A_48 : memref<1024x64xf32, #tpu.memory_space<hbm>>) dst(%dma_wait3A_42 : memref<96x64xf32, #tpu.memory_space<vmem>>)
    %dma_wait3A_49 = arith.constant 2 : i32
    %dma_wait3A_50 = arith.constant 192 : i32
    %dma_wait3A_51 = arith.constant 0 : i32
    %dma_wait3A_52 = tpu.memref_slice %arg6[%dma_wait3A_50, %dma_wait3A_51] : memref<288x64xf32, #tpu.memory_space<vmem>> -> memref<96x64xf32, #tpu.memory_space<vmem>>
    %dma_wait3A_53 = arith.constant 0 : i32
    %dma_wait3A_54 = tpu.memref_slice %arg5[%dma_wait3A_49, %dma_wait3A_53] : memref<3x96xi32, #tpu.memory_space<vmem>> -> memref<1x96xi32, #tpu.memory_space<vmem>>
    %dma_wait3A_55 = tpu.memref_squeeze %dma_wait3A_54 : memref<1x96xi32, #tpu.memory_space<vmem>> -> memref<96xi32, #tpu.memory_space<vmem>>
    %dma_wait3A_56 = arith.constant 0 : i32
    %dma_wait3A_57 = arith.constant 0 : i32
    %dma_wait3A_58 = tpu.memref_slice %arg2[%dma_wait3A_56, %dma_wait3A_57] : memref<1024x64xf32, #tpu.memory_space<hbm>> -> memref<1024x64xf32, #tpu.memory_space<hbm>>
    tpu.wait_indirect_dma semaphore(%arg7 : memref<!tpu.dma_semaphore, #tpu.memory_space<semaphore_mem>>) src(%dma_wait3A_58 : memref<1024x64xf32, #tpu.memory_space<hbm>>) dst(%dma_wait3A_52 : memref<96x64xf32, #tpu.memory_space<vmem>>)
    %jit3A = arith.constant 2 : i32
    %div3A = arith.divsi %add3A, %jit3A : i32
    %sign3A = arith.constant 0 : i32
    %sign3A_59 = arith.cmpi sgt, %add3A, %sign3A : i32
    %sign3A_60 = arith.extui %sign3A_59 : i1 to i32
    %sign3A_61 = arith.constant 0 : i32
    %sign3A_62 = arith.cmpi slt, %add3A, %sign3A_61 : i32
    %sign3A_63 = arith.extui %sign3A_62 : i1 to i32
    %sign3A_64 = arith.subi %sign3A_60, %sign3A_63 : i32
    %sign3A_65 = arith.constant 0 : i32
    %sign3A_66 = arith.cmpi sgt, %jit3A, %sign3A_65 : i32
    %sign3A_67 = arith.extui %sign3A_66 : i1 to i32
    %sign3A_68 = arith.constant 0 : i32
    %sign3A_69 = arith.cmpi slt, %jit3A, %sign3A_68 : i32
    %sign3A_70 = arith.extui %sign3A_69 : i1 to i32
    %sign3A_71 = arith.subi %sign3A_67, %sign3A_70 : i32
    %ne3A = arith.cmpi ne, %sign3A_64, %sign3A_71 : i32
    %rem3A = arith.remsi %add3A, %jit3A : i32
    %ne3A_72 = arith.constant 0 : i32
    %ne3A_73 = arith.cmpi ne, %rem3A, %ne3A_72 : i32
    %and3A = arith.andi %ne3A, %ne3A_73 : i1
    %sub3A = arith.constant 1 : i32
    %sub3A_74 = arith.subi %div3A, %sub3A : i32
    %select_n3A = arith.select %and3A, %sub3A_74, %div3A : i32
    %jit3A_75 = arith.constant 2 : i32
    %eq3A = arith.constant 0 : i32
    %eq3A_76 = arith.cmpi eq, %jit3A_75, %eq3A : i32
    %jit3A_77 = arith.constant 1 : i32
    %select_n3A_78 = arith.select %eq3A_76, %jit3A_77, %jit3A_75 : i32
    %rem3A_79 = arith.remsi %add3A, %select_n3A_78 : i32
    %ne3A_80 = arith.constant 0 : i32
    %ne3A_81 = arith.cmpi ne, %rem3A_79, %ne3A_80 : i32
    %lt3A = arith.constant 0 : i32
    %lt3A_82 = arith.cmpi slt, %rem3A_79, %lt3A : i32
    %lt3A_83 = arith.constant 0 : i32
    %lt3A_84 = arith.cmpi slt, %select_n3A_78, %lt3A_83 : i32
    %ne3A_85 = arith.xori %lt3A_82, %lt3A_84 : i1
    %and3A_86 = arith.andi %ne3A_85, %ne3A_81 : i1
    %add3A_87 = arith.addi %rem3A_79, %select_n3A_78 : i32
    %select_n3A_88 = arith.select %and3A_86, %add3A_87, %rem3A_79 : i32
    %mul3A_89 = arith.constant 288 : i32
    %mul3A_90 = arith.muli %select_n3A_88, %mul3A_89 : i32
    "tpu.region"() ({
      %run_scoped3A = tpu.sem_alloc : memref<!tpu.dma_semaphore, #tpu.memory_space<semaphore_mem>>
      %dma_start3A_91 = arith.constant 0 : i32
      %dma_start3A_92 = tpu.memref_slice %arg4[%select_n3A, %mul3A_90, %dma_start3A_91] : memref<16x576x64xf32, #tpu.memory_space<hbm>> -> memref<1x288x64xf32, #tpu.memory_space<hbm>>
      %dma_start3A_93 = tpu.memref_squeeze %dma_start3A_92 : memref<1x288x64xf32, #tpu.memory_space<hbm>> -> memref<288x64xf32, #tpu.memory_space<hbm>>
      %dma_start3A_94 = arith.constant 0 : i32
      %dma_start3A_95 = tpu.memref_slice %arg4[%select_n3A, %mul3A_90, %dma_start3A_94] : memref<16x576x64xf32, #tpu.memory_space<hbm>> -> memref<1x288x64xf32, #tpu.memory_space<hbm>>
      %dma_start3A_96 = tpu.memref_squeeze %dma_start3A_95 : memref<1x288x64xf32, #tpu.memory_space<hbm>> -> memref<288x64xf32, #tpu.memory_space<hbm>>
      tpu.enqueue_dma source(%arg6 : memref<288x64xf32, #tpu.memory_space<vmem>>) target(%dma_start3A_96 : memref<288x64xf32, #tpu.memory_space<hbm>>) target_semaphore(%run_scoped3A : memref<!tpu.dma_semaphore, #tpu.memory_space<semaphore_mem>>)
      %dma_wait3A_97 = arith.constant 0 : i32
      %dma_wait3A_98 = tpu.memref_slice %arg4[%select_n3A, %mul3A_90, %dma_wait3A_97] : memref<16x576x64xf32, #tpu.memory_space<hbm>> -> memref<1x288x64xf32, #tpu.memory_space<hbm>>
      %dma_wait3A_99 = tpu.memref_squeeze %dma_wait3A_98 : memref<1x288x64xf32, #tpu.memory_space<hbm>> -> memref<288x64xf32, #tpu.memory_space<hbm>>
      %dma_wait3A_100 = arith.constant 0 : i32
      %dma_wait3A_101 = tpu.memref_slice %arg4[%select_n3A, %mul3A_90, %dma_wait3A_100] : memref<16x576x64xf32, #tpu.memory_space<hbm>> -> memref<1x288x64xf32, #tpu.memory_space<hbm>>
      %dma_wait3A_102 = tpu.memref_squeeze %dma_wait3A_101 : memref<1x288x64xf32, #tpu.memory_space<hbm>> -> memref<288x64xf32, #tpu.memory_space<hbm>>
      tpu.wait_dma2 semaphore(%run_scoped3A : memref<!tpu.dma_semaphore, #tpu.memory_space<semaphore_mem>>) src(%arg6 : memref<288x64xf32, #tpu.memory_space<vmem>>) dst(%dma_wait3A_102 : memref<288x64xf32, #tpu.memory_space<hbm>>)
      tpu.yield
    }) : () -> ()
    return
  }
}

module attributes {stable_mosaic.version = 14 : i64} {
  func.func @_vq_tc_body(%arg0: memref<16x576x64xf32, #tpu.memory_space<vmem>>, %arg1: memref<1024x64xf32, #tpu.memory_space<vmem>>, %arg2: memref<72x128xi32, #tpu.memory_space<vmem>>, %arg3: memref<1x1xf32, #tpu.memory_space<vmem>>, %arg4: memref<512x128xf32, #tpu.memory_space<vmem>>) attributes {dimension_semantics = [], scalar_prefetch = 0 : i64, scratch_operands = 0 : i64, tpu.core_type = #tpu.core_type<tc>} {
    %get3A = arith.constant 0 : index
    %get3A_0 = arith.constant 0 : index
    %get3A_1 = vector.load %arg1[%get3A, %get3A_0] : memref<1024x64xf32, #tpu.memory_space<vmem>>, vector<1024x64xf32>
    %transpose3A = tpu.transpose %get3A_1, [1, 0] : vector<1024x64xf32> -> vector<64x1024xf32>
    %mul3A = arith.mulf %transpose3A, %transpose3A : vector<64x1024xf32>
    %reduce_sum3A = arith.constant dense<0.000000e+00> : vector<1024xf32>
    %reduce_sum3A_2 = vector.multi_reduction <add>, %mul3A, %reduce_sum3A [0] : vector<64x1024xf32> to vector<1024xf32>
    %broadcast_in_dim3A = vector.shape_cast %reduce_sum3A_2 : vector<1024xf32> to vector<1x1024xf32>
    %get3A_3 = arith.constant 0 : index
    %get3A_4 = arith.constant 0 : index
    %get3A_5 = arith.constant 0 : index
    %get3A_6 = vector.load %arg0[%get3A_3, %get3A_4, %get3A_5] : memref<16x576x64xf32, #tpu.memory_space<vmem>>, vector<16x576x64xf32>
    %reshape3A = vector.shape_cast %get3A_6 : vector<16x576x64xf32> to vector<9216x64xf32>
    %broadcast_in_dim3A_7 = arith.constant 0.000000e+00 : f32
    %broadcast_in_dim3A_8 = vector.broadcast %broadcast_in_dim3A_7 : f32 to vector<1x1xf32>
    %slice3A = vector.extract_strided_slice %reshape3A {offsets = [0, 0], sizes = [1024, 64], strides = [1, 1]} : vector<9216x64xf32> to vector<1024x64xf32>
    %mul3A_9 = arith.mulf %slice3A, %slice3A : vector<1024x64xf32>
    %reduce_sum3A_10 = arith.constant dense<0.000000e+00> : vector<1024xf32>
    %reduce_sum3A_11 = vector.multi_reduction <add>, %mul3A_9, %reduce_sum3A_10 [1] : vector<1024x64xf32> to vector<1024xf32>
    %broadcast_in_dim3A_12 = vector.shape_cast %reduce_sum3A_11 : vector<1024xf32> to vector<1024x1xf32>
    %add3A = arith.addf %slice3A, %slice3A : vector<1024x64xf32>
    %dot_general3A = arith.constant dense<0.000000e+00> : vector<1024x1024xf32>
    %dot_general3A_13 = tpu.matmul %add3A, %transpose3A, %dot_general3A {dimension_numbers = #tpu.dot_dimension_numbers<[1], [0], [0], [1], [0, 0, 1, 1], [], []>, transpose_lhs_hint = false} : vector<1024x64xf32>, vector<64x1024xf32>, vector<1024x1024xf32> -> vector<1024x1024xf32>
    %add3A_14 = vector.broadcast %broadcast_in_dim3A_12 : vector<1024x1xf32> to vector<1024x1024xf32>
    %add3A_15 = vector.broadcast %broadcast_in_dim3A : vector<1x1024xf32> to vector<1024x1024xf32>
    %add3A_16 = arith.addf %add3A_14, %add3A_15 : vector<1024x1024xf32>
    %sub3A = arith.subf %add3A_16, %dot_general3A_13 : vector<1024x1024xf32>
    %reduce_min3A = arith.constant dense<0x7F800000> : vector<1024xf32>
    %reduce_min3A_17 = vector.multi_reduction <minimumf>, %sub3A, %reduce_min3A [1] : vector<1024x1024xf32> to vector<1024xf32>
    %broadcast_in_dim3A_18 = vector.shape_cast %reduce_min3A_17 : vector<1024xf32> to vector<1024x1xf32>
    %iota3A = tpu.iota {dimensions = array<i32: 1>} : vector<1024x1024xi32>
    %eq3A = vector.broadcast %broadcast_in_dim3A_18 : vector<1024x1xf32> to vector<1024x1024xf32>
    %eq3A_19 = arith.cmpf oeq, %sub3A, %eq3A : vector<1024x1024xf32>
    %jit3A = arith.constant 1024 : i32
    %broadcast_in_dim3A_20 = vector.broadcast %jit3A : i32 to vector<1024x1024xi32>
    %select_n3A = arith.select %eq3A_19, %iota3A, %broadcast_in_dim3A_20 : vector<1024x1024xi1>, vector<1024x1024xi32>
    %slice3A_21 = vector.extract_strided_slice %select_n3A {offsets = [0, 0], sizes = [1024, 128], strides = [1, 1]} : vector<1024x1024xi32> to vector<1024x128xi32>
    %slice3A_22 = vector.extract_strided_slice %select_n3A {offsets = [0, 128], sizes = [1024, 128], strides = [1, 1]} : vector<1024x1024xi32> to vector<1024x128xi32>
    %slice3A_23 = vector.extract_strided_slice %select_n3A {offsets = [0, 256], sizes = [1024, 128], strides = [1, 1]} : vector<1024x1024xi32> to vector<1024x128xi32>
    %slice3A_24 = vector.extract_strided_slice %select_n3A {offsets = [0, 384], sizes = [1024, 128], strides = [1, 1]} : vector<1024x1024xi32> to vector<1024x128xi32>
    %slice3A_25 = vector.extract_strided_slice %select_n3A {offsets = [0, 512], sizes = [1024, 128], strides = [1, 1]} : vector<1024x1024xi32> to vector<1024x128xi32>
    %slice3A_26 = vector.extract_strided_slice %select_n3A {offsets = [0, 640], sizes = [1024, 128], strides = [1, 1]} : vector<1024x1024xi32> to vector<1024x128xi32>
    %slice3A_27 = vector.extract_strided_slice %select_n3A {offsets = [0, 768], sizes = [1024, 128], strides = [1, 1]} : vector<1024x1024xi32> to vector<1024x128xi32>
    %slice3A_28 = vector.extract_strided_slice %select_n3A {offsets = [0, 896], sizes = [1024, 128], strides = [1, 1]} : vector<1024x1024xi32> to vector<1024x128xi32>
    %min3A = arith.minsi %slice3A_21, %slice3A_22 : vector<1024x128xi32>
    %min3A_29 = arith.minsi %slice3A_23, %slice3A_24 : vector<1024x128xi32>
    %min3A_30 = arith.minsi %min3A, %min3A_29 : vector<1024x128xi32>
    %min3A_31 = arith.minsi %slice3A_25, %slice3A_26 : vector<1024x128xi32>
    %min3A_32 = arith.minsi %slice3A_27, %slice3A_28 : vector<1024x128xi32>
    %min3A_33 = arith.minsi %min3A_31, %min3A_32 : vector<1024x128xi32>
    %min3A_34 = arith.minsi %min3A_30, %min3A_33 : vector<1024x128xi32>
    %transpose3A_35 = tpu.transpose %min3A_34, [1, 0] : vector<1024x128xi32> -> vector<128x1024xi32>
    %reduce_min3A_36 = arith.constant dense<2147483647> : vector<1024xi32>
    %reduce_min3A_37 = vector.multi_reduction <minsi>, %transpose3A_35, %reduce_min3A_36 [0] : vector<128x1024xi32> to vector<1024xi32>
    %broadcast_in_dim3A_38 = vector.shape_cast %reduce_min3A_37 : vector<1024xi32> to vector<1x1024xi32>
    %reshape3A_39 = vector.shape_cast %broadcast_in_dim3A_38 : vector<1x1024xi32> to vector<8x128xi32>
    %swap3A = arith.constant 0 : index
    %swap3A_40 = arith.constant 0 : index
    %swap3A_41 = vector.load %arg2[%swap3A, %swap3A_40] : memref<72x128xi32, #tpu.memory_space<vmem>>, vector<8x128xi32>
    tpu.vector_store %arg2[%swap3A, %swap3A_40], %reshape3A_39 {strides = array<i32>} : memref<72x128xi32, #tpu.memory_space<vmem>>, vector<8x128xi32>,
    %reduce_sum3A_42 = vector.shape_cast %broadcast_in_dim3A_18 : vector<1024x1xf32> to vector<1x1024x1xf32>
    %reduce_sum3A_43 = arith.constant dense<0.000000e+00> : vector<1xf32>
    %reduce_sum3A_44 = vector.multi_reduction <add>, %reduce_sum3A_42, %reduce_sum3A_43 [1, 2] : vector<1x1024x1xf32> to vector<1xf32>
    %reduce_sum3A_45 = vector.shape_cast %reduce_sum3A_44 : vector<1xf32> to vector<1x1x1xf32>
    %reduce_sum3A_46 = vector.extract %reduce_sum3A_45[0, 0, 0] : f32 from vector<1x1x1xf32>
    %broadcast_in_dim3A_47 = vector.broadcast %reduce_sum3A_46 : f32 to vector<1x1xf32>
    %add3A_48 = arith.addf %broadcast_in_dim3A_8, %broadcast_in_dim3A_47 : vector<1x1xf32>
    %slice3A_49 = vector.extract_strided_slice %reshape3A {offsets = [1024, 0], sizes = [1024, 64], strides = [1, 1]} : vector<9216x64xf32> to vector<1024x64xf32>
    %mul3A_50 = arith.mulf %slice3A_49, %slice3A_49 : vector<1024x64xf32>
    %reduce_sum3A_51 = arith.constant dense<0.000000e+00> : vector<1024xf32>
    %reduce_sum3A_52 = vector.multi_reduction <add>, %mul3A_50, %reduce_sum3A_51 [1] : vector<1024x64xf32> to vector<1024xf32>
    %broadcast_in_dim3A_53 = vector.shape_cast %reduce_sum3A_52 : vector<1024xf32> to vector<1024x1xf32>
    %add3A_54 = arith.addf %slice3A_49, %slice3A_49 : vector<1024x64xf32>
    %dot_general3A_55 = arith.constant dense<0.000000e+00> : vector<1024x1024xf32>
    %dot_general3A_56 = tpu.matmul %add3A_54, %transpose3A, %dot_general3A_55 {dimension_numbers = #tpu.dot_dimension_numbers<[1], [0], [0], [1], [0, 0, 1, 1], [], []>, transpose_lhs_hint = false} : vector<1024x64xf32>, vector<64x1024xf32>, vector<1024x1024xf32> -> vector<1024x1024xf32>
    %add3A_57 = vector.broadcast %broadcast_in_dim3A_53 : vector<1024x1xf32> to vector<1024x1024xf32>
    %add3A_58 = vector.broadcast %broadcast_in_dim3A : vector<1x1024xf32> to vector<1024x1024xf32>
    %add3A_59 = arith.addf %add3A_57, %add3A_58 : vector<1024x1024xf32>
    %sub3A_60 = arith.subf %add3A_59, %dot_general3A_56 : vector<1024x1024xf32>
    %reduce_min3A_61 = arith.constant dense<0x7F800000> : vector<1024xf32>
    %reduce_min3A_62 = vector.multi_reduction <minimumf>, %sub3A_60, %reduce_min3A_61 [1] : vector<1024x1024xf32> to vector<1024xf32>
    %broadcast_in_dim3A_63 = vector.shape_cast %reduce_min3A_62 : vector<1024xf32> to vector<1024x1xf32>
    %iota3A_64 = tpu.iota {dimensions = array<i32: 1>} : vector<1024x1024xi32>
    %eq3A_65 = vector.broadcast %broadcast_in_dim3A_63 : vector<1024x1xf32> to vector<1024x1024xf32>
    %eq3A_66 = arith.cmpf oeq, %sub3A_60, %eq3A_65 : vector<1024x1024xf32>
    %jit3A_67 = arith.constant 1024 : i32
    %broadcast_in_dim3A_68 = vector.broadcast %jit3A_67 : i32 to vector<1024x1024xi32>
    %select_n3A_69 = arith.select %eq3A_66, %iota3A_64, %broadcast_in_dim3A_68 : vector<1024x1024xi1>, vector<1024x1024xi32>
    %slice3A_70 = vector.extract_strided_slice %select_n3A_69 {offsets = [0, 0], sizes = [1024, 128], strides = [1, 1]} : vector<1024x1024xi32> to vector<1024x128xi32>
    %slice3A_71 = vector.extract_strided_slice %select_n3A_69 {offsets = [0, 128], sizes = [1024, 128], strides = [1, 1]} : vector<1024x1024xi32> to vector<1024x128xi32>
    %slice3A_72 = vector.extract_strided_slice %select_n3A_69 {offsets = [0, 256], sizes = [1024, 128], strides = [1, 1]} : vector<1024x1024xi32> to vector<1024x128xi32>
    %slice3A_73 = vector.extract_strided_slice %select_n3A_69 {offsets = [0, 384], sizes = [1024, 128], strides = [1, 1]} : vector<1024x1024xi32> to vector<1024x128xi32>
    %slice3A_74 = vector.extract_strided_slice %select_n3A_69 {offsets = [0, 512], sizes = [1024, 128], strides = [1, 1]} : vector<1024x1024xi32> to vector<1024x128xi32>
    %slice3A_75 = vector.extract_strided_slice %select_n3A_69 {offsets = [0, 640], sizes = [1024, 128], strides = [1, 1]} : vector<1024x1024xi32> to vector<1024x128xi32>
    %slice3A_76 = vector.extract_strided_slice %select_n3A_69 {offsets = [0, 768], sizes = [1024, 128], strides = [1, 1]} : vector<1024x1024xi32> to vector<1024x128xi32>
    %slice3A_77 = vector.extract_strided_slice %select_n3A_69 {offsets = [0, 896], sizes = [1024, 128], strides = [1, 1]} : vector<1024x1024xi32> to vector<1024x128xi32>
    %min3A_78 = arith.minsi %slice3A_70, %slice3A_71 : vector<1024x128xi32>
    %min3A_79 = arith.minsi %slice3A_72, %slice3A_73 : vector<1024x128xi32>
    %min3A_80 = arith.minsi %min3A_78, %min3A_79 : vector<1024x128xi32>
    %min3A_81 = arith.minsi %slice3A_74, %slice3A_75 : vector<1024x128xi32>
    %min3A_82 = arith.minsi %slice3A_76, %slice3A_77 : vector<1024x128xi32>
    %min3A_83 = arith.minsi %min3A_81, %min3A_82 : vector<1024x128xi32>
    %min3A_84 = arith.minsi %min3A_80, %min3A_83 : vector<1024x128xi32>
    %transpose3A_85 = tpu.transpose %min3A_84, [1, 0] : vector<1024x128xi32> -> vector<128x1024xi32>
    %reduce_min3A_86 = arith.constant dense<2147483647> : vector<1024xi32>
    %reduce_min3A_87 = vector.multi_reduction <minsi>, %transpose3A_85, %reduce_min3A_86 [0] : vector<128x1024xi32> to vector<1024xi32>
    %broadcast_in_dim3A_88 = vector.shape_cast %reduce_min3A_87 : vector<1024xi32> to vector<1x1024xi32>
    %reshape3A_89 = vector.shape_cast %broadcast_in_dim3A_88 : vector<1x1024xi32> to vector<8x128xi32>
    %swap3A_90 = arith.constant 8 : index
    %swap3A_91 = arith.constant 0 : index
    %swap3A_92 = vector.load %arg2[%swap3A_90, %swap3A_91] : memref<72x128xi32, #tpu.memory_space<vmem>>, vector<8x128xi32>
    tpu.vector_store %arg2[%swap3A_90, %swap3A_91], %reshape3A_89 {strides = array<i32>} : memref<72x128xi32, #tpu.memory_space<vmem>>, vector<8x128xi32>,
    %reduce_sum3A_93 = vector.shape_cast %broadcast_in_dim3A_63 : vector<1024x1xf32> to vector<1x1024x1xf32>
    %reduce_sum3A_94 = arith.constant dense<0.000000e+00> : vector<1xf32>
    %reduce_sum3A_95 = vector.multi_reduction <add>, %reduce_sum3A_93, %reduce_sum3A_94 [1, 2] : vector<1x1024x1xf32> to vector<1xf32>
    %reduce_sum3A_96 = vector.shape_cast %reduce_sum3A_95 : vector<1xf32> to vector<1x1x1xf32>
    %reduce_sum3A_97 = vector.extract %reduce_sum3A_96[0, 0, 0] : f32 from vector<1x1x1xf32>
    %broadcast_in_dim3A_98 = vector.broadcast %reduce_sum3A_97 : f32 to vector<1x1xf32>
    %add3A_99 = arith.addf %add3A_48, %broadcast_in_dim3A_98 : vector<1x1xf32>
    %slice3A_100 = vector.extract_strided_slice %reshape3A {offsets = [2048, 0], sizes = [1024, 64], strides = [1, 1]} : vector<9216x64xf32> to vector<1024x64xf32>
    %mul3A_101 = arith.mulf %slice3A_100, %slice3A_100 : vector<1024x64xf32>
    %reduce_sum3A_102 = arith.constant dense<0.000000e+00> : vector<1024xf32>
    %reduce_sum3A_103 = vector.multi_reduction <add>, %mul3A_101, %reduce_sum3A_102 [1] : vector<1024x64xf32> to vector<1024xf32>
    %broadcast_in_dim3A_104 = vector.shape_cast %reduce_sum3A_103 : vector<1024xf32> to vector<1024x1xf32>
    %add3A_105 = arith.addf %slice3A_100, %slice3A_100 : vector<1024x64xf32>
    %dot_general3A_106 = arith.constant dense<0.000000e+00> : vector<1024x1024xf32>
    %dot_general3A_107 = tpu.matmul %add3A_105, %transpose3A, %dot_general3A_106 {dimension_numbers = #tpu.dot_dimension_numbers<[1], [0], [0], [1], [0, 0, 1, 1], [], []>, transpose_lhs_hint = false} : vector<1024x64xf32>, vector<64x1024xf32>, vector<1024x1024xf32> -> vector<1024x1024xf32>
    %add3A_108 = vector.broadcast %broadcast_in_dim3A_104 : vector<1024x1xf32> to vector<1024x1024xf32>
    %add3A_109 = vector.broadcast %broadcast_in_dim3A : vector<1x1024xf32> to vector<1024x1024xf32>
    %add3A_110 = arith.addf %add3A_108, %add3A_109 : vector<1024x1024xf32>
    %sub3A_111 = arith.subf %add3A_110, %dot_general3A_107 : vector<1024x1024xf32>
    %reduce_min3A_112 = arith.constant dense<0x7F800000> : vector<1024xf32>
    %reduce_min3A_113 = vector.multi_reduction <minimumf>, %sub3A_111, %reduce_min3A_112 [1] : vector<1024x1024xf32> to vector<1024xf32>
    %broadcast_in_dim3A_114 = vector.shape_cast %reduce_min3A_113 : vector<1024xf32> to vector<1024x1xf32>
    %iota3A_115 = tpu.iota {dimensions = array<i32: 1>} : vector<1024x1024xi32>
    %eq3A_116 = vector.broadcast %broadcast_in_dim3A_114 : vector<1024x1xf32> to vector<1024x1024xf32>
    %eq3A_117 = arith.cmpf oeq, %sub3A_111, %eq3A_116 : vector<1024x1024xf32>
    %jit3A_118 = arith.constant 1024 : i32
    %broadcast_in_dim3A_119 = vector.broadcast %jit3A_118 : i32 to vector<1024x1024xi32>
    %select_n3A_120 = arith.select %eq3A_117, %iota3A_115, %broadcast_in_dim3A_119 : vector<1024x1024xi1>, vector<1024x1024xi32>
    %slice3A_121 = vector.extract_strided_slice %select_n3A_120 {offsets = [0, 0], sizes = [1024, 128], strides = [1, 1]} : vector<1024x1024xi32> to vector<1024x128xi32>
    %slice3A_122 = vector.extract_strided_slice %select_n3A_120 {offsets = [0, 128], sizes = [1024, 128], strides = [1, 1]} : vector<1024x1024xi32> to vector<1024x128xi32>
    %slice3A_123 = vector.extract_strided_slice %select_n3A_120 {offsets = [0, 256], sizes = [1024, 128], strides = [1, 1]} : vector<1024x1024xi32> to vector<1024x128xi32>
    %slice3A_124 = vector.extract_strided_slice %select_n3A_120 {offsets = [0, 384], sizes = [1024, 128], strides = [1, 1]} : vector<1024x1024xi32> to vector<1024x128xi32>
    %slice3A_125 = vector.extract_strided_slice %select_n3A_120 {offsets = [0, 512], sizes = [1024, 128], strides = [1, 1]} : vector<1024x1024xi32> to vector<1024x128xi32>
    %slice3A_126 = vector.extract_strided_slice %select_n3A_120 {offsets = [0, 640], sizes = [1024, 128], strides = [1, 1]} : vector<1024x1024xi32> to vector<1024x128xi32>
    %slice3A_127 = vector.extract_strided_slice %select_n3A_120 {offsets = [0, 768], sizes = [1024, 128], strides = [1, 1]} : vector<1024x1024xi32> to vector<1024x128xi32>
    %slice3A_128 = vector.extract_strided_slice %select_n3A_120 {offsets = [0, 896], sizes = [1024, 128], strides = [1, 1]} : vector<1024x1024xi32> to vector<1024x128xi32>
    %min3A_129 = arith.minsi %slice3A_121, %slice3A_122 : vector<1024x128xi32>
    %min3A_130 = arith.minsi %slice3A_123, %slice3A_124 : vector<1024x128xi32>
    %min3A_131 = arith.minsi %min3A_129, %min3A_130 : vector<1024x128xi32>
    %min3A_132 = arith.minsi %slice3A_125, %slice3A_126 : vector<1024x128xi32>
    %min3A_133 = arith.minsi %slice3A_127, %slice3A_128 : vector<1024x128xi32>
    %min3A_134 = arith.minsi %min3A_132, %min3A_133 : vector<1024x128xi32>
    %min3A_135 = arith.minsi %min3A_131, %min3A_134 : vector<1024x128xi32>
    %transpose3A_136 = tpu.transpose %min3A_135, [1, 0] : vector<1024x128xi32> -> vector<128x1024xi32>
    %reduce_min3A_137 = arith.constant dense<2147483647> : vector<1024xi32>
    %reduce_min3A_138 = vector.multi_reduction <minsi>, %transpose3A_136, %reduce_min3A_137 [0] : vector<128x1024xi32> to vector<1024xi32>
    %broadcast_in_dim3A_139 = vector.shape_cast %reduce_min3A_138 : vector<1024xi32> to vector<1x1024xi32>
    %reshape3A_140 = vector.shape_cast %broadcast_in_dim3A_139 : vector<1x1024xi32> to vector<8x128xi32>
    %swap3A_141 = arith.constant 16 : index
    %swap3A_142 = arith.constant 0 : index
    %swap3A_143 = vector.load %arg2[%swap3A_141, %swap3A_142] : memref<72x128xi32, #tpu.memory_space<vmem>>, vector<8x128xi32>
    tpu.vector_store %arg2[%swap3A_141, %swap3A_142], %reshape3A_140 {strides = array<i32>} : memref<72x128xi32, #tpu.memory_space<vmem>>, vector<8x128xi32>,
    %reduce_sum3A_144 = vector.shape_cast %broadcast_in_dim3A_114 : vector<1024x1xf32> to vector<1x1024x1xf32>
    %reduce_sum3A_145 = arith.constant dense<0.000000e+00> : vector<1xf32>
    %reduce_sum3A_146 = vector.multi_reduction <add>, %reduce_sum3A_144, %reduce_sum3A_145 [1, 2] : vector<1x1024x1xf32> to vector<1xf32>
    %reduce_sum3A_147 = vector.shape_cast %reduce_sum3A_146 : vector<1xf32> to vector<1x1x1xf32>
    %reduce_sum3A_148 = vector.extract %reduce_sum3A_147[0, 0, 0] : f32 from vector<1x1x1xf32>
    %broadcast_in_dim3A_149 = vector.broadcast %reduce_sum3A_148 : f32 to vector<1x1xf32>
    %add3A_150 = arith.addf %add3A_99, %broadcast_in_dim3A_149 : vector<1x1xf32>
    %slice3A_151 = vector.extract_strided_slice %reshape3A {offsets = [3072, 0], sizes = [1024, 64], strides = [1, 1]} : vector<9216x64xf32> to vector<1024x64xf32>
    %mul3A_152 = arith.mulf %slice3A_151, %slice3A_151 : vector<1024x64xf32>
    %reduce_sum3A_153 = arith.constant dense<0.000000e+00> : vector<1024xf32>
    %reduce_sum3A_154 = vector.multi_reduction <add>, %mul3A_152, %reduce_sum3A_153 [1] : vector<1024x64xf32> to vector<1024xf32>
    %broadcast_in_dim3A_155 = vector.shape_cast %reduce_sum3A_154 : vector<1024xf32> to vector<1024x1xf32>
    %add3A_156 = arith.addf %slice3A_151, %slice3A_151 : vector<1024x64xf32>
    %dot_general3A_157 = arith.constant dense<0.000000e+00> : vector<1024x1024xf32>
    %dot_general3A_158 = tpu.matmul %add3A_156, %transpose3A, %dot_general3A_157 {dimension_numbers = #tpu.dot_dimension_numbers<[1], [0], [0], [1], [0, 0, 1, 1], [], []>, transpose_lhs_hint = false} : vector<1024x64xf32>, vector<64x1024xf32>, vector<1024x1024xf32> -> vector<1024x1024xf32>
    %add3A_159 = vector.broadcast %broadcast_in_dim3A_155 : vector<1024x1xf32> to vector<1024x1024xf32>
    %add3A_160 = vector.broadcast %broadcast_in_dim3A : vector<1x1024xf32> to vector<1024x1024xf32>
    %add3A_161 = arith.addf %add3A_159, %add3A_160 : vector<1024x1024xf32>
    %sub3A_162 = arith.subf %add3A_161, %dot_general3A_158 : vector<1024x1024xf32>
    %reduce_min3A_163 = arith.constant dense<0x7F800000> : vector<1024xf32>
    %reduce_min3A_164 = vector.multi_reduction <minimumf>, %sub3A_162, %reduce_min3A_163 [1] : vector<1024x1024xf32> to vector<1024xf32>
    %broadcast_in_dim3A_165 = vector.shape_cast %reduce_min3A_164 : vector<1024xf32> to vector<1024x1xf32>
    %iota3A_166 = tpu.iota {dimensions = array<i32: 1>} : vector<1024x1024xi32>
    %eq3A_167 = vector.broadcast %broadcast_in_dim3A_165 : vector<1024x1xf32> to vector<1024x1024xf32>
    %eq3A_168 = arith.cmpf oeq, %sub3A_162, %eq3A_167 : vector<1024x1024xf32>
    %jit3A_169 = arith.constant 1024 : i32
    %broadcast_in_dim3A_170 = vector.broadcast %jit3A_169 : i32 to vector<1024x1024xi32>
    %select_n3A_171 = arith.select %eq3A_168, %iota3A_166, %broadcast_in_dim3A_170 : vector<1024x1024xi1>, vector<1024x1024xi32>
    %slice3A_172 = vector.extract_strided_slice %select_n3A_171 {offsets = [0, 0], sizes = [1024, 128], strides = [1, 1]} : vector<1024x1024xi32> to vector<1024x128xi32>
    %slice3A_173 = vector.extract_strided_slice %select_n3A_171 {offsets = [0, 128], sizes = [1024, 128], strides = [1, 1]} : vector<1024x1024xi32> to vector<1024x128xi32>
    %slice3A_174 = vector.extract_strided_slice %select_n3A_171 {offsets = [0, 256], sizes = [1024, 128], strides = [1, 1]} : vector<1024x1024xi32> to vector<1024x128xi32>
    %slice3A_175 = vector.extract_strided_slice %select_n3A_171 {offsets = [0, 384], sizes = [1024, 128], strides = [1, 1]} : vector<1024x1024xi32> to vector<1024x128xi32>
    %slice3A_176 = vector.extract_strided_slice %select_n3A_171 {offsets = [0, 512], sizes = [1024, 128], strides = [1, 1]} : vector<1024x1024xi32> to vector<1024x128xi32>
    %slice3A_177 = vector.extract_strided_slice %select_n3A_171 {offsets = [0, 640], sizes = [1024, 128], strides = [1, 1]} : vector<1024x1024xi32> to vector<1024x128xi32>
    %slice3A_178 = vector.extract_strided_slice %select_n3A_171 {offsets = [0, 768], sizes = [1024, 128], strides = [1, 1]} : vector<1024x1024xi32> to vector<1024x128xi32>
    %slice3A_179 = vector.extract_strided_slice %select_n3A_171 {offsets = [0, 896], sizes = [1024, 128], strides = [1, 1]} : vector<1024x1024xi32> to vector<1024x128xi32>
    %min3A_180 = arith.minsi %slice3A_172, %slice3A_173 : vector<1024x128xi32>
    %min3A_181 = arith.minsi %slice3A_174, %slice3A_175 : vector<1024x128xi32>
    %min3A_182 = arith.minsi %min3A_180, %min3A_181 : vector<1024x128xi32>
    %min3A_183 = arith.minsi %slice3A_176, %slice3A_177 : vector<1024x128xi32>
    %min3A_184 = arith.minsi %slice3A_178, %slice3A_179 : vector<1024x128xi32>
    %min3A_185 = arith.minsi %min3A_183, %min3A_184 : vector<1024x128xi32>
    %min3A_186 = arith.minsi %min3A_182, %min3A_185 : vector<1024x128xi32>
    %transpose3A_187 = tpu.transpose %min3A_186, [1, 0] : vector<1024x128xi32> -> vector<128x1024xi32>
    %reduce_min3A_188 = arith.constant dense<2147483647> : vector<1024xi32>
    %reduce_min3A_189 = vector.multi_reduction <minsi>, %transpose3A_187, %reduce_min3A_188 [0] : vector<128x1024xi32> to vector<1024xi32>
    %broadcast_in_dim3A_190 = vector.shape_cast %reduce_min3A_189 : vector<1024xi32> to vector<1x1024xi32>
    %reshape3A_191 = vector.shape_cast %broadcast_in_dim3A_190 : vector<1x1024xi32> to vector<8x128xi32>
    %swap3A_192 = arith.constant 24 : index
    %swap3A_193 = arith.constant 0 : index
    %swap3A_194 = vector.load %arg2[%swap3A_192, %swap3A_193] : memref<72x128xi32, #tpu.memory_space<vmem>>, vector<8x128xi32>
    tpu.vector_store %arg2[%swap3A_192, %swap3A_193], %reshape3A_191 {strides = array<i32>} : memref<72x128xi32, #tpu.memory_space<vmem>>, vector<8x128xi32>,
    %reduce_sum3A_195 = vector.shape_cast %broadcast_in_dim3A_165 : vector<1024x1xf32> to vector<1x1024x1xf32>
    %reduce_sum3A_196 = arith.constant dense<0.000000e+00> : vector<1xf32>
    %reduce_sum3A_197 = vector.multi_reduction <add>, %reduce_sum3A_195, %reduce_sum3A_196 [1, 2] : vector<1x1024x1xf32> to vector<1xf32>
    %reduce_sum3A_198 = vector.shape_cast %reduce_sum3A_197 : vector<1xf32> to vector<1x1x1xf32>
    %reduce_sum3A_199 = vector.extract %reduce_sum3A_198[0, 0, 0] : f32 from vector<1x1x1xf32>
    %broadcast_in_dim3A_200 = vector.broadcast %reduce_sum3A_199 : f32 to vector<1x1xf32>
    %add3A_201 = arith.addf %add3A_150, %broadcast_in_dim3A_200 : vector<1x1xf32>
    %slice3A_202 = vector.extract_strided_slice %reshape3A {offsets = [4096, 0], sizes = [1024, 64], strides = [1, 1]} : vector<9216x64xf32> to vector<1024x64xf32>
    %mul3A_203 = arith.mulf %slice3A_202, %slice3A_202 : vector<1024x64xf32>
    %reduce_sum3A_204 = arith.constant dense<0.000000e+00> : vector<1024xf32>
    %reduce_sum3A_205 = vector.multi_reduction <add>, %mul3A_203, %reduce_sum3A_204 [1] : vector<1024x64xf32> to vector<1024xf32>
    %broadcast_in_dim3A_206 = vector.shape_cast %reduce_sum3A_205 : vector<1024xf32> to vector<1024x1xf32>
    %add3A_207 = arith.addf %slice3A_202, %slice3A_202 : vector<1024x64xf32>
    %dot_general3A_208 = arith.constant dense<0.000000e+00> : vector<1024x1024xf32>
    %dot_general3A_209 = tpu.matmul %add3A_207, %transpose3A, %dot_general3A_208 {dimension_numbers = #tpu.dot_dimension_numbers<[1], [0], [0], [1], [0, 0, 1, 1], [], []>, transpose_lhs_hint = false} : vector<1024x64xf32>, vector<64x1024xf32>, vector<1024x1024xf32> -> vector<1024x1024xf32>
    %add3A_210 = vector.broadcast %broadcast_in_dim3A_206 : vector<1024x1xf32> to vector<1024x1024xf32>
    %add3A_211 = vector.broadcast %broadcast_in_dim3A : vector<1x1024xf32> to vector<1024x1024xf32>
    %add3A_212 = arith.addf %add3A_210, %add3A_211 : vector<1024x1024xf32>
    %sub3A_213 = arith.subf %add3A_212, %dot_general3A_209 : vector<1024x1024xf32>
    %reduce_min3A_214 = arith.constant dense<0x7F800000> : vector<1024xf32>
    %reduce_min3A_215 = vector.multi_reduction <minimumf>, %sub3A_213, %reduce_min3A_214 [1] : vector<1024x1024xf32> to vector<1024xf32>
    %broadcast_in_dim3A_216 = vector.shape_cast %reduce_min3A_215 : vector<1024xf32> to vector<1024x1xf32>
    %iota3A_217 = tpu.iota {dimensions = array<i32: 1>} : vector<1024x1024xi32>
    %eq3A_218 = vector.broadcast %broadcast_in_dim3A_216 : vector<1024x1xf32> to vector<1024x1024xf32>
    %eq3A_219 = arith.cmpf oeq, %sub3A_213, %eq3A_218 : vector<1024x1024xf32>
    %jit3A_220 = arith.constant 1024 : i32
    %broadcast_in_dim3A_221 = vector.broadcast %jit3A_220 : i32 to vector<1024x1024xi32>
    %select_n3A_222 = arith.select %eq3A_219, %iota3A_217, %broadcast_in_dim3A_221 : vector<1024x1024xi1>, vector<1024x1024xi32>
    %slice3A_223 = vector.extract_strided_slice %select_n3A_222 {offsets = [0, 0], sizes = [1024, 128], strides = [1, 1]} : vector<1024x1024xi32> to vector<1024x128xi32>
    %slice3A_224 = vector.extract_strided_slice %select_n3A_222 {offsets = [0, 128], sizes = [1024, 128], strides = [1, 1]} : vector<1024x1024xi32> to vector<1024x128xi32>
    %slice3A_225 = vector.extract_strided_slice %select_n3A_222 {offsets = [0, 256], sizes = [1024, 128], strides = [1, 1]} : vector<1024x1024xi32> to vector<1024x128xi32>
    %slice3A_226 = vector.extract_strided_slice %select_n3A_222 {offsets = [0, 384], sizes = [1024, 128], strides = [1, 1]} : vector<1024x1024xi32> to vector<1024x128xi32>
    %slice3A_227 = vector.extract_strided_slice %select_n3A_222 {offsets = [0, 512], sizes = [1024, 128], strides = [1, 1]} : vector<1024x1024xi32> to vector<1024x128xi32>
    %slice3A_228 = vector.extract_strided_slice %select_n3A_222 {offsets = [0, 640], sizes = [1024, 128], strides = [1, 1]} : vector<1024x1024xi32> to vector<1024x128xi32>
    %slice3A_229 = vector.extract_strided_slice %select_n3A_222 {offsets = [0, 768], sizes = [1024, 128], strides = [1, 1]} : vector<1024x1024xi32> to vector<1024x128xi32>
    %slice3A_230 = vector.extract_strided_slice %select_n3A_222 {offsets = [0, 896], sizes = [1024, 128], strides = [1, 1]} : vector<1024x1024xi32> to vector<1024x128xi32>
    %min3A_231 = arith.minsi %slice3A_223, %slice3A_224 : vector<1024x128xi32>
    %min3A_232 = arith.minsi %slice3A_225, %slice3A_226 : vector<1024x128xi32>
    %min3A_233 = arith.minsi %min3A_231, %min3A_232 : vector<1024x128xi32>
    %min3A_234 = arith.minsi %slice3A_227, %slice3A_228 : vector<1024x128xi32>
    %min3A_235 = arith.minsi %slice3A_229, %slice3A_230 : vector<1024x128xi32>
    %min3A_236 = arith.minsi %min3A_234, %min3A_235 : vector<1024x128xi32>
    %min3A_237 = arith.minsi %min3A_233, %min3A_236 : vector<1024x128xi32>
    %transpose3A_238 = tpu.transpose %min3A_237, [1, 0] : vector<1024x128xi32> -> vector<128x1024xi32>
    %reduce_min3A_239 = arith.constant dense<2147483647> : vector<1024xi32>
    %reduce_min3A_240 = vector.multi_reduction <minsi>, %transpose3A_238, %reduce_min3A_239 [0] : vector<128x1024xi32> to vector<1024xi32>
    %broadcast_in_dim3A_241 = vector.shape_cast %reduce_min3A_240 : vector<1024xi32> to vector<1x1024xi32>
    %reshape3A_242 = vector.shape_cast %broadcast_in_dim3A_241 : vector<1x1024xi32> to vector<8x128xi32>
    %swap3A_243 = arith.constant 32 : index
    %swap3A_244 = arith.constant 0 : index
    %swap3A_245 = vector.load %arg2[%swap3A_243, %swap3A_244] : memref<72x128xi32, #tpu.memory_space<vmem>>, vector<8x128xi32>
    tpu.vector_store %arg2[%swap3A_243, %swap3A_244], %reshape3A_242 {strides = array<i32>} : memref<72x128xi32, #tpu.memory_space<vmem>>, vector<8x128xi32>,
    %reduce_sum3A_246 = vector.shape_cast %broadcast_in_dim3A_216 : vector<1024x1xf32> to vector<1x1024x1xf32>
    %reduce_sum3A_247 = arith.constant dense<0.000000e+00> : vector<1xf32>
    %reduce_sum3A_248 = vector.multi_reduction <add>, %reduce_sum3A_246, %reduce_sum3A_247 [1, 2] : vector<1x1024x1xf32> to vector<1xf32>
    %reduce_sum3A_249 = vector.shape_cast %reduce_sum3A_248 : vector<1xf32> to vector<1x1x1xf32>
    %reduce_sum3A_250 = vector.extract %reduce_sum3A_249[0, 0, 0] : f32 from vector<1x1x1xf32>
    %broadcast_in_dim3A_251 = vector.broadcast %reduce_sum3A_250 : f32 to vector<1x1xf32>
    %add3A_252 = arith.addf %add3A_201, %broadcast_in_dim3A_251 : vector<1x1xf32>
    %slice3A_253 = vector.extract_strided_slice %reshape3A {offsets = [5120, 0], sizes = [1024, 64], strides = [1, 1]} : vector<9216x64xf32> to vector<1024x64xf32>
    %mul3A_254 = arith.mulf %slice3A_253, %slice3A_253 : vector<1024x64xf32>
    %reduce_sum3A_255 = arith.constant dense<0.000000e+00> : vector<1024xf32>
    %reduce_sum3A_256 = vector.multi_reduction <add>, %mul3A_254, %reduce_sum3A_255 [1] : vector<1024x64xf32> to vector<1024xf32>
    %broadcast_in_dim3A_257 = vector.shape_cast %reduce_sum3A_256 : vector<1024xf32> to vector<1024x1xf32>
    %add3A_258 = arith.addf %slice3A_253, %slice3A_253 : vector<1024x64xf32>
    %dot_general3A_259 = arith.constant dense<0.000000e+00> : vector<1024x1024xf32>
    %dot_general3A_260 = tpu.matmul %add3A_258, %transpose3A, %dot_general3A_259 {dimension_numbers = #tpu.dot_dimension_numbers<[1], [0], [0], [1], [0, 0, 1, 1], [], []>, transpose_lhs_hint = false} : vector<1024x64xf32>, vector<64x1024xf32>, vector<1024x1024xf32> -> vector<1024x1024xf32>
    %add3A_261 = vector.broadcast %broadcast_in_dim3A_257 : vector<1024x1xf32> to vector<1024x1024xf32>
    %add3A_262 = vector.broadcast %broadcast_in_dim3A : vector<1x1024xf32> to vector<1024x1024xf32>
    %add3A_263 = arith.addf %add3A_261, %add3A_262 : vector<1024x1024xf32>
    %sub3A_264 = arith.subf %add3A_263, %dot_general3A_260 : vector<1024x1024xf32>
    %reduce_min3A_265 = arith.constant dense<0x7F800000> : vector<1024xf32>
    %reduce_min3A_266 = vector.multi_reduction <minimumf>, %sub3A_264, %reduce_min3A_265 [1] : vector<1024x1024xf32> to vector<1024xf32>
    %broadcast_in_dim3A_267 = vector.shape_cast %reduce_min3A_266 : vector<1024xf32> to vector<1024x1xf32>
    %iota3A_268 = tpu.iota {dimensions = array<i32: 1>} : vector<1024x1024xi32>
    %eq3A_269 = vector.broadcast %broadcast_in_dim3A_267 : vector<1024x1xf32> to vector<1024x1024xf32>
    %eq3A_270 = arith.cmpf oeq, %sub3A_264, %eq3A_269 : vector<1024x1024xf32>
    %jit3A_271 = arith.constant 1024 : i32
    %broadcast_in_dim3A_272 = vector.broadcast %jit3A_271 : i32 to vector<1024x1024xi32>
    %select_n3A_273 = arith.select %eq3A_270, %iota3A_268, %broadcast_in_dim3A_272 : vector<1024x1024xi1>, vector<1024x1024xi32>
    %slice3A_274 = vector.extract_strided_slice %select_n3A_273 {offsets = [0, 0], sizes = [1024, 128], strides = [1, 1]} : vector<1024x1024xi32> to vector<1024x128xi32>
    %slice3A_275 = vector.extract_strided_slice %select_n3A_273 {offsets = [0, 128], sizes = [1024, 128], strides = [1, 1]} : vector<1024x1024xi32> to vector<1024x128xi32>
    %slice3A_276 = vector.extract_strided_slice %select_n3A_273 {offsets = [0, 256], sizes = [1024, 128], strides = [1, 1]} : vector<1024x1024xi32> to vector<1024x128xi32>
    %slice3A_277 = vector.extract_strided_slice %select_n3A_273 {offsets = [0, 384], sizes = [1024, 128], strides = [1, 1]} : vector<1024x1024xi32> to vector<1024x128xi32>
    %slice3A_278 = vector.extract_strided_slice %select_n3A_273 {offsets = [0, 512], sizes = [1024, 128], strides = [1, 1]} : vector<1024x1024xi32> to vector<1024x128xi32>
    %slice3A_279 = vector.extract_strided_slice %select_n3A_273 {offsets = [0, 640], sizes = [1024, 128], strides = [1, 1]} : vector<1024x1024xi32> to vector<1024x128xi32>
    %slice3A_280 = vector.extract_strided_slice %select_n3A_273 {offsets = [0, 768], sizes = [1024, 128], strides = [1, 1]} : vector<1024x1024xi32> to vector<1024x128xi32>
    %slice3A_281 = vector.extract_strided_slice %select_n3A_273 {offsets = [0, 896], sizes = [1024, 128], strides = [1, 1]} : vector<1024x1024xi32> to vector<1024x128xi32>
    %min3A_282 = arith.minsi %slice3A_274, %slice3A_275 : vector<1024x128xi32>
    %min3A_283 = arith.minsi %slice3A_276, %slice3A_277 : vector<1024x128xi32>
    %min3A_284 = arith.minsi %min3A_282, %min3A_283 : vector<1024x128xi32>
    %min3A_285 = arith.minsi %slice3A_278, %slice3A_279 : vector<1024x128xi32>
    %min3A_286 = arith.minsi %slice3A_280, %slice3A_281 : vector<1024x128xi32>
    %min3A_287 = arith.minsi %min3A_285, %min3A_286 : vector<1024x128xi32>
    %min3A_288 = arith.minsi %min3A_284, %min3A_287 : vector<1024x128xi32>
    %transpose3A_289 = tpu.transpose %min3A_288, [1, 0] : vector<1024x128xi32> -> vector<128x1024xi32>
    %reduce_min3A_290 = arith.constant dense<2147483647> : vector<1024xi32>
    %reduce_min3A_291 = vector.multi_reduction <minsi>, %transpose3A_289, %reduce_min3A_290 [0] : vector<128x1024xi32> to vector<1024xi32>
    %broadcast_in_dim3A_292 = vector.shape_cast %reduce_min3A_291 : vector<1024xi32> to vector<1x1024xi32>
    %reshape3A_293 = vector.shape_cast %broadcast_in_dim3A_292 : vector<1x1024xi32> to vector<8x128xi32>
    %swap3A_294 = arith.constant 40 : index
    %swap3A_295 = arith.constant 0 : index
    %swap3A_296 = vector.load %arg2[%swap3A_294, %swap3A_295] : memref<72x128xi32, #tpu.memory_space<vmem>>, vector<8x128xi32>
    tpu.vector_store %arg2[%swap3A_294, %swap3A_295], %reshape3A_293 {strides = array<i32>} : memref<72x128xi32, #tpu.memory_space<vmem>>, vector<8x128xi32>,
    %reduce_sum3A_297 = vector.shape_cast %broadcast_in_dim3A_267 : vector<1024x1xf32> to vector<1x1024x1xf32>
    %reduce_sum3A_298 = arith.constant dense<0.000000e+00> : vector<1xf32>
    %reduce_sum3A_299 = vector.multi_reduction <add>, %reduce_sum3A_297, %reduce_sum3A_298 [1, 2] : vector<1x1024x1xf32> to vector<1xf32>
    %reduce_sum3A_300 = vector.shape_cast %reduce_sum3A_299 : vector<1xf32> to vector<1x1x1xf32>
    %reduce_sum3A_301 = vector.extract %reduce_sum3A_300[0, 0, 0] : f32 from vector<1x1x1xf32>
    %broadcast_in_dim3A_302 = vector.broadcast %reduce_sum3A_301 : f32 to vector<1x1xf32>
    %add3A_303 = arith.addf %add3A_252, %broadcast_in_dim3A_302 : vector<1x1xf32>
    %slice3A_304 = vector.extract_strided_slice %reshape3A {offsets = [6144, 0], sizes = [1024, 64], strides = [1, 1]} : vector<9216x64xf32> to vector<1024x64xf32>
    %mul3A_305 = arith.mulf %slice3A_304, %slice3A_304 : vector<1024x64xf32>
    %reduce_sum3A_306 = arith.constant dense<0.000000e+00> : vector<1024xf32>
    %reduce_sum3A_307 = vector.multi_reduction <add>, %mul3A_305, %reduce_sum3A_306 [1] : vector<1024x64xf32> to vector<1024xf32>
    %broadcast_in_dim3A_308 = vector.shape_cast %reduce_sum3A_307 : vector<1024xf32> to vector<1024x1xf32>
    %add3A_309 = arith.addf %slice3A_304, %slice3A_304 : vector<1024x64xf32>
    %dot_general3A_310 = arith.constant dense<0.000000e+00> : vector<1024x1024xf32>
    %dot_general3A_311 = tpu.matmul %add3A_309, %transpose3A, %dot_general3A_310 {dimension_numbers = #tpu.dot_dimension_numbers<[1], [0], [0], [1], [0, 0, 1, 1], [], []>, transpose_lhs_hint = false} : vector<1024x64xf32>, vector<64x1024xf32>, vector<1024x1024xf32> -> vector<1024x1024xf32>
    %add3A_312 = vector.broadcast %broadcast_in_dim3A_308 : vector<1024x1xf32> to vector<1024x1024xf32>
    %add3A_313 = vector.broadcast %broadcast_in_dim3A : vector<1x1024xf32> to vector<1024x1024xf32>
    %add3A_314 = arith.addf %add3A_312, %add3A_313 : vector<1024x1024xf32>
    %sub3A_315 = arith.subf %add3A_314, %dot_general3A_311 : vector<1024x1024xf32>
    %reduce_min3A_316 = arith.constant dense<0x7F800000> : vector<1024xf32>
    %reduce_min3A_317 = vector.multi_reduction <minimumf>, %sub3A_315, %reduce_min3A_316 [1] : vector<1024x1024xf32> to vector<1024xf32>
    %broadcast_in_dim3A_318 = vector.shape_cast %reduce_min3A_317 : vector<1024xf32> to vector<1024x1xf32>
    %iota3A_319 = tpu.iota {dimensions = array<i32: 1>} : vector<1024x1024xi32>
    %eq3A_320 = vector.broadcast %broadcast_in_dim3A_318 : vector<1024x1xf32> to vector<1024x1024xf32>
    %eq3A_321 = arith.cmpf oeq, %sub3A_315, %eq3A_320 : vector<1024x1024xf32>
    %jit3A_322 = arith.constant 1024 : i32
    %broadcast_in_dim3A_323 = vector.broadcast %jit3A_322 : i32 to vector<1024x1024xi32>
    %select_n3A_324 = arith.select %eq3A_321, %iota3A_319, %broadcast_in_dim3A_323 : vector<1024x1024xi1>, vector<1024x1024xi32>
    %slice3A_325 = vector.extract_strided_slice %select_n3A_324 {offsets = [0, 0], sizes = [1024, 128], strides = [1, 1]} : vector<1024x1024xi32> to vector<1024x128xi32>
    %slice3A_326 = vector.extract_strided_slice %select_n3A_324 {offsets = [0, 128], sizes = [1024, 128], strides = [1, 1]} : vector<1024x1024xi32> to vector<1024x128xi32>
    %slice3A_327 = vector.extract_strided_slice %select_n3A_324 {offsets = [0, 256], sizes = [1024, 128], strides = [1, 1]} : vector<1024x1024xi32> to vector<1024x128xi32>
    %slice3A_328 = vector.extract_strided_slice %select_n3A_324 {offsets = [0, 384], sizes = [1024, 128], strides = [1, 1]} : vector<1024x1024xi32> to vector<1024x128xi32>
    %slice3A_329 = vector.extract_strided_slice %select_n3A_324 {offsets = [0, 512], sizes = [1024, 128], strides = [1, 1]} : vector<1024x1024xi32> to vector<1024x128xi32>
    %slice3A_330 = vector.extract_strided_slice %select_n3A_324 {offsets = [0, 640], sizes = [1024, 128], strides = [1, 1]} : vector<1024x1024xi32> to vector<1024x128xi32>
    %slice3A_331 = vector.extract_strided_slice %select_n3A_324 {offsets = [0, 768], sizes = [1024, 128], strides = [1, 1]} : vector<1024x1024xi32> to vector<1024x128xi32>
    %slice3A_332 = vector.extract_strided_slice %select_n3A_324 {offsets = [0, 896], sizes = [1024, 128], strides = [1, 1]} : vector<1024x1024xi32> to vector<1024x128xi32>
    %min3A_333 = arith.minsi %slice3A_325, %slice3A_326 : vector<1024x128xi32>
    %min3A_334 = arith.minsi %slice3A_327, %slice3A_328 : vector<1024x128xi32>
    %min3A_335 = arith.minsi %min3A_333, %min3A_334 : vector<1024x128xi32>
    %min3A_336 = arith.minsi %slice3A_329, %slice3A_330 : vector<1024x128xi32>
    %min3A_337 = arith.minsi %slice3A_331, %slice3A_332 : vector<1024x128xi32>
    %min3A_338 = arith.minsi %min3A_336, %min3A_337 : vector<1024x128xi32>
    %min3A_339 = arith.minsi %min3A_335, %min3A_338 : vector<1024x128xi32>
    %transpose3A_340 = tpu.transpose %min3A_339, [1, 0] : vector<1024x128xi32> -> vector<128x1024xi32>
    %reduce_min3A_341 = arith.constant dense<2147483647> : vector<1024xi32>
    %reduce_min3A_342 = vector.multi_reduction <minsi>, %transpose3A_340, %reduce_min3A_341 [0] : vector<128x1024xi32> to vector<1024xi32>
    %broadcast_in_dim3A_343 = vector.shape_cast %reduce_min3A_342 : vector<1024xi32> to vector<1x1024xi32>
    %reshape3A_344 = vector.shape_cast %broadcast_in_dim3A_343 : vector<1x1024xi32> to vector<8x128xi32>
    %swap3A_345 = arith.constant 48 : index
    %swap3A_346 = arith.constant 0 : index
    %swap3A_347 = vector.load %arg2[%swap3A_345, %swap3A_346] : memref<72x128xi32, #tpu.memory_space<vmem>>, vector<8x128xi32>
    tpu.vector_store %arg2[%swap3A_345, %swap3A_346], %reshape3A_344 {strides = array<i32>} : memref<72x128xi32, #tpu.memory_space<vmem>>, vector<8x128xi32>,
    %reduce_sum3A_348 = vector.shape_cast %broadcast_in_dim3A_318 : vector<1024x1xf32> to vector<1x1024x1xf32>
    %reduce_sum3A_349 = arith.constant dense<0.000000e+00> : vector<1xf32>
    %reduce_sum3A_350 = vector.multi_reduction <add>, %reduce_sum3A_348, %reduce_sum3A_349 [1, 2] : vector<1x1024x1xf32> to vector<1xf32>
    %reduce_sum3A_351 = vector.shape_cast %reduce_sum3A_350 : vector<1xf32> to vector<1x1x1xf32>
    %reduce_sum3A_352 = vector.extract %reduce_sum3A_351[0, 0, 0] : f32 from vector<1x1x1xf32>
    %broadcast_in_dim3A_353 = vector.broadcast %reduce_sum3A_352 : f32 to vector<1x1xf32>
    %add3A_354 = arith.addf %add3A_303, %broadcast_in_dim3A_353 : vector<1x1xf32>
    %slice3A_355 = vector.extract_strided_slice %reshape3A {offsets = [7168, 0], sizes = [1024, 64], strides = [1, 1]} : vector<9216x64xf32> to vector<1024x64xf32>
    %mul3A_356 = arith.mulf %slice3A_355, %slice3A_355 : vector<1024x64xf32>
    %reduce_sum3A_357 = arith.constant dense<0.000000e+00> : vector<1024xf32>
    %reduce_sum3A_358 = vector.multi_reduction <add>, %mul3A_356, %reduce_sum3A_357 [1] : vector<1024x64xf32> to vector<1024xf32>
    %broadcast_in_dim3A_359 = vector.shape_cast %reduce_sum3A_358 : vector<1024xf32> to vector<1024x1xf32>
    %add3A_360 = arith.addf %slice3A_355, %slice3A_355 : vector<1024x64xf32>
    %dot_general3A_361 = arith.constant dense<0.000000e+00> : vector<1024x1024xf32>
    %dot_general3A_362 = tpu.matmul %add3A_360, %transpose3A, %dot_general3A_361 {dimension_numbers = #tpu.dot_dimension_numbers<[1], [0], [0], [1], [0, 0, 1, 1], [], []>, transpose_lhs_hint = false} : vector<1024x64xf32>, vector<64x1024xf32>, vector<1024x1024xf32> -> vector<1024x1024xf32>
    %add3A_363 = vector.broadcast %broadcast_in_dim3A_359 : vector<1024x1xf32> to vector<1024x1024xf32>
    %add3A_364 = vector.broadcast %broadcast_in_dim3A : vector<1x1024xf32> to vector<1024x1024xf32>
    %add3A_365 = arith.addf %add3A_363, %add3A_364 : vector<1024x1024xf32>
    %sub3A_366 = arith.subf %add3A_365, %dot_general3A_362 : vector<1024x1024xf32>
    %reduce_min3A_367 = arith.constant dense<0x7F800000> : vector<1024xf32>
    %reduce_min3A_368 = vector.multi_reduction <minimumf>, %sub3A_366, %reduce_min3A_367 [1] : vector<1024x1024xf32> to vector<1024xf32>
    %broadcast_in_dim3A_369 = vector.shape_cast %reduce_min3A_368 : vector<1024xf32> to vector<1024x1xf32>
    %iota3A_370 = tpu.iota {dimensions = array<i32: 1>} : vector<1024x1024xi32>
    %eq3A_371 = vector.broadcast %broadcast_in_dim3A_369 : vector<1024x1xf32> to vector<1024x1024xf32>
    %eq3A_372 = arith.cmpf oeq, %sub3A_366, %eq3A_371 : vector<1024x1024xf32>
    %jit3A_373 = arith.constant 1024 : i32
    %broadcast_in_dim3A_374 = vector.broadcast %jit3A_373 : i32 to vector<1024x1024xi32>
    %select_n3A_375 = arith.select %eq3A_372, %iota3A_370, %broadcast_in_dim3A_374 : vector<1024x1024xi1>, vector<1024x1024xi32>
    %slice3A_376 = vector.extract_strided_slice %select_n3A_375 {offsets = [0, 0], sizes = [1024, 128], strides = [1, 1]} : vector<1024x1024xi32> to vector<1024x128xi32>
    %slice3A_377 = vector.extract_strided_slice %select_n3A_375 {offsets = [0, 128], sizes = [1024, 128], strides = [1, 1]} : vector<1024x1024xi32> to vector<1024x128xi32>
    %slice3A_378 = vector.extract_strided_slice %select_n3A_375 {offsets = [0, 256], sizes = [1024, 128], strides = [1, 1]} : vector<1024x1024xi32> to vector<1024x128xi32>
    %slice3A_379 = vector.extract_strided_slice %select_n3A_375 {offsets = [0, 384], sizes = [1024, 128], strides = [1, 1]} : vector<1024x1024xi32> to vector<1024x128xi32>
    %slice3A_380 = vector.extract_strided_slice %select_n3A_375 {offsets = [0, 512], sizes = [1024, 128], strides = [1, 1]} : vector<1024x1024xi32> to vector<1024x128xi32>
    %slice3A_381 = vector.extract_strided_slice %select_n3A_375 {offsets = [0, 640], sizes = [1024, 128], strides = [1, 1]} : vector<1024x1024xi32> to vector<1024x128xi32>
    %slice3A_382 = vector.extract_strided_slice %select_n3A_375 {offsets = [0, 768], sizes = [1024, 128], strides = [1, 1]} : vector<1024x1024xi32> to vector<1024x128xi32>
    %slice3A_383 = vector.extract_strided_slice %select_n3A_375 {offsets = [0, 896], sizes = [1024, 128], strides = [1, 1]} : vector<1024x1024xi32> to vector<1024x128xi32>
    %min3A_384 = arith.minsi %slice3A_376, %slice3A_377 : vector<1024x128xi32>
    %min3A_385 = arith.minsi %slice3A_378, %slice3A_379 : vector<1024x128xi32>
    %min3A_386 = arith.minsi %min3A_384, %min3A_385 : vector<1024x128xi32>
    %min3A_387 = arith.minsi %slice3A_380, %slice3A_381 : vector<1024x128xi32>
    %min3A_388 = arith.minsi %slice3A_382, %slice3A_383 : vector<1024x128xi32>
    %min3A_389 = arith.minsi %min3A_387, %min3A_388 : vector<1024x128xi32>
    %min3A_390 = arith.minsi %min3A_386, %min3A_389 : vector<1024x128xi32>
    %transpose3A_391 = tpu.transpose %min3A_390, [1, 0] : vector<1024x128xi32> -> vector<128x1024xi32>
    %reduce_min3A_392 = arith.constant dense<2147483647> : vector<1024xi32>
    %reduce_min3A_393 = vector.multi_reduction <minsi>, %transpose3A_391, %reduce_min3A_392 [0] : vector<128x1024xi32> to vector<1024xi32>
    %broadcast_in_dim3A_394 = vector.shape_cast %reduce_min3A_393 : vector<1024xi32> to vector<1x1024xi32>
    %reshape3A_395 = vector.shape_cast %broadcast_in_dim3A_394 : vector<1x1024xi32> to vector<8x128xi32>
    %swap3A_396 = arith.constant 56 : index
    %swap3A_397 = arith.constant 0 : index
    %swap3A_398 = vector.load %arg2[%swap3A_396, %swap3A_397] : memref<72x128xi32, #tpu.memory_space<vmem>>, vector<8x128xi32>
    tpu.vector_store %arg2[%swap3A_396, %swap3A_397], %reshape3A_395 {strides = array<i32>} : memref<72x128xi32, #tpu.memory_space<vmem>>, vector<8x128xi32>,
    %reduce_sum3A_399 = vector.shape_cast %broadcast_in_dim3A_369 : vector<1024x1xf32> to vector<1x1024x1xf32>
    %reduce_sum3A_400 = arith.constant dense<0.000000e+00> : vector<1xf32>
    %reduce_sum3A_401 = vector.multi_reduction <add>, %reduce_sum3A_399, %reduce_sum3A_400 [1, 2] : vector<1x1024x1xf32> to vector<1xf32>
    %reduce_sum3A_402 = vector.shape_cast %reduce_sum3A_401 : vector<1xf32> to vector<1x1x1xf32>
    %reduce_sum3A_403 = vector.extract %reduce_sum3A_402[0, 0, 0] : f32 from vector<1x1x1xf32>
    %broadcast_in_dim3A_404 = vector.broadcast %reduce_sum3A_403 : f32 to vector<1x1xf32>
    %add3A_405 = arith.addf %add3A_354, %broadcast_in_dim3A_404 : vector<1x1xf32>
    %slice3A_406 = vector.extract_strided_slice %reshape3A {offsets = [8192, 0], sizes = [1024, 64], strides = [1, 1]} : vector<9216x64xf32> to vector<1024x64xf32>
    %mul3A_407 = arith.mulf %slice3A_406, %slice3A_406 : vector<1024x64xf32>
    %reduce_sum3A_408 = arith.constant dense<0.000000e+00> : vector<1024xf32>
    %reduce_sum3A_409 = vector.multi_reduction <add>, %mul3A_407, %reduce_sum3A_408 [1] : vector<1024x64xf32> to vector<1024xf32>
    %broadcast_in_dim3A_410 = vector.shape_cast %reduce_sum3A_409 : vector<1024xf32> to vector<1024x1xf32>
    %add3A_411 = arith.addf %slice3A_406, %slice3A_406 : vector<1024x64xf32>
    %dot_general3A_412 = arith.constant dense<0.000000e+00> : vector<1024x1024xf32>
    %dot_general3A_413 = tpu.matmul %add3A_411, %transpose3A, %dot_general3A_412 {dimension_numbers = #tpu.dot_dimension_numbers<[1], [0], [0], [1], [0, 0, 1, 1], [], []>, transpose_lhs_hint = false} : vector<1024x64xf32>, vector<64x1024xf32>, vector<1024x1024xf32> -> vector<1024x1024xf32>
    %add3A_414 = vector.broadcast %broadcast_in_dim3A_410 : vector<1024x1xf32> to vector<1024x1024xf32>
    %add3A_415 = vector.broadcast %broadcast_in_dim3A : vector<1x1024xf32> to vector<1024x1024xf32>
    %add3A_416 = arith.addf %add3A_414, %add3A_415 : vector<1024x1024xf32>
    %sub3A_417 = arith.subf %add3A_416, %dot_general3A_413 : vector<1024x1024xf32>
    %reduce_min3A_418 = arith.constant dense<0x7F800000> : vector<1024xf32>
    %reduce_min3A_419 = vector.multi_reduction <minimumf>, %sub3A_417, %reduce_min3A_418 [1] : vector<1024x1024xf32> to vector<1024xf32>
    %broadcast_in_dim3A_420 = vector.shape_cast %reduce_min3A_419 : vector<1024xf32> to vector<1024x1xf32>
    %iota3A_421 = tpu.iota {dimensions = array<i32: 1>} : vector<1024x1024xi32>
    %eq3A_422 = vector.broadcast %broadcast_in_dim3A_420 : vector<1024x1xf32> to vector<1024x1024xf32>
    %eq3A_423 = arith.cmpf oeq, %sub3A_417, %eq3A_422 : vector<1024x1024xf32>
    %jit3A_424 = arith.constant 1024 : i32
    %broadcast_in_dim3A_425 = vector.broadcast %jit3A_424 : i32 to vector<1024x1024xi32>
    %select_n3A_426 = arith.select %eq3A_423, %iota3A_421, %broadcast_in_dim3A_425 : vector<1024x1024xi1>, vector<1024x1024xi32>
    %slice3A_427 = vector.extract_strided_slice %select_n3A_426 {offsets = [0, 0], sizes = [1024, 128], strides = [1, 1]} : vector<1024x1024xi32> to vector<1024x128xi32>
    %slice3A_428 = vector.extract_strided_slice %select_n3A_426 {offsets = [0, 128], sizes = [1024, 128], strides = [1, 1]} : vector<1024x1024xi32> to vector<1024x128xi32>
    %slice3A_429 = vector.extract_strided_slice %select_n3A_426 {offsets = [0, 256], sizes = [1024, 128], strides = [1, 1]} : vector<1024x1024xi32> to vector<1024x128xi32>
    %slice3A_430 = vector.extract_strided_slice %select_n3A_426 {offsets = [0, 384], sizes = [1024, 128], strides = [1, 1]} : vector<1024x1024xi32> to vector<1024x128xi32>
    %slice3A_431 = vector.extract_strided_slice %select_n3A_426 {offsets = [0, 512], sizes = [1024, 128], strides = [1, 1]} : vector<1024x1024xi32> to vector<1024x128xi32>
    %slice3A_432 = vector.extract_strided_slice %select_n3A_426 {offsets = [0, 640], sizes = [1024, 128], strides = [1, 1]} : vector<1024x1024xi32> to vector<1024x128xi32>
    %slice3A_433 = vector.extract_strided_slice %select_n3A_426 {offsets = [0, 768], sizes = [1024, 128], strides = [1, 1]} : vector<1024x1024xi32> to vector<1024x128xi32>
    %slice3A_434 = vector.extract_strided_slice %select_n3A_426 {offsets = [0, 896], sizes = [1024, 128], strides = [1, 1]} : vector<1024x1024xi32> to vector<1024x128xi32>
    %min3A_435 = arith.minsi %slice3A_427, %slice3A_428 : vector<1024x128xi32>
    %min3A_436 = arith.minsi %slice3A_429, %slice3A_430 : vector<1024x128xi32>
    %min3A_437 = arith.minsi %min3A_435, %min3A_436 : vector<1024x128xi32>
    %min3A_438 = arith.minsi %slice3A_431, %slice3A_432 : vector<1024x128xi32>
    %min3A_439 = arith.minsi %slice3A_433, %slice3A_434 : vector<1024x128xi32>
    %min3A_440 = arith.minsi %min3A_438, %min3A_439 : vector<1024x128xi32>
    %min3A_441 = arith.minsi %min3A_437, %min3A_440 : vector<1024x128xi32>
    %transpose3A_442 = tpu.transpose %min3A_441, [1, 0] : vector<1024x128xi32> -> vector<128x1024xi32>
    %reduce_min3A_443 = arith.constant dense<2147483647> : vector<1024xi32>
    %reduce_min3A_444 = vector.multi_reduction <minsi>, %transpose3A_442, %reduce_min3A_443 [0] : vector<128x1024xi32> to vector<1024xi32>
    %broadcast_in_dim3A_445 = vector.shape_cast %reduce_min3A_444 : vector<1024xi32> to vector<1x1024xi32>
    %reshape3A_446 = vector.shape_cast %broadcast_in_dim3A_445 : vector<1x1024xi32> to vector<8x128xi32>
    %swap3A_447 = arith.constant 64 : index
    %swap3A_448 = arith.constant 0 : index
    %swap3A_449 = vector.load %arg2[%swap3A_447, %swap3A_448] : memref<72x128xi32, #tpu.memory_space<vmem>>, vector<8x128xi32>
    tpu.vector_store %arg2[%swap3A_447, %swap3A_448], %reshape3A_446 {strides = array<i32>} : memref<72x128xi32, #tpu.memory_space<vmem>>, vector<8x128xi32>,
    %reduce_sum3A_450 = vector.shape_cast %broadcast_in_dim3A_420 : vector<1024x1xf32> to vector<1x1024x1xf32>
    %reduce_sum3A_451 = arith.constant dense<0.000000e+00> : vector<1xf32>
    %reduce_sum3A_452 = vector.multi_reduction <add>, %reduce_sum3A_450, %reduce_sum3A_451 [1, 2] : vector<1x1024x1xf32> to vector<1xf32>
    %reduce_sum3A_453 = vector.shape_cast %reduce_sum3A_452 : vector<1xf32> to vector<1x1x1xf32>
    %reduce_sum3A_454 = vector.extract %reduce_sum3A_453[0, 0, 0] : f32 from vector<1x1x1xf32>
    %broadcast_in_dim3A_455 = vector.broadcast %reduce_sum3A_454 : f32 to vector<1x1xf32>
    %add3A_456 = arith.addf %add3A_405, %broadcast_in_dim3A_455 : vector<1x1xf32>
    %mul3A_457 = arith.constant 2.11927636E-6 : f32
    %mul3A_458 = vector.broadcast %mul3A_457 : f32 to vector<1x1xf32>
    %mul3A_459 = arith.mulf %add3A_456, %mul3A_458 : vector<1x1xf32>
    %swap3A_460 = arith.constant 0 : index
    %swap3A_461 = arith.constant 0 : index
    %swap3A_462 = vector.load %arg3[%swap3A_460, %swap3A_461] : memref<1x1xf32, #tpu.memory_space<vmem>>, vector<1x1xf32>
    tpu.vector_store %arg3[%swap3A_460, %swap3A_461], %mul3A_459 {strides = array<i32>} : memref<1x1xf32, #tpu.memory_space<vmem>>, vector<1x1xf32>,
    %iota3A_463 = tpu.iota {dimensions = array<i32: 0>} : vector<512x1024xi32>
    %iota3A_464 = tpu.iota {dimensions = array<i32: 1>} : vector<512x1024xi32>
    %add3A_465 = arith.addi %iota3A_463, %iota3A_463 : vector<512x1024xi32>
    %eq3A_466 = arith.cmpi eq, %iota3A_464, %add3A_465 : vector<512x1024xi32>
    %convert_element_type3A = arith.extui %eq3A_466 : vector<512x1024xi1> to vector<512x1024xi32>
    %convert_element_type3A_467 = arith.sitofp %convert_element_type3A : vector<512x1024xi32> to vector<512x1024xf32>
    %add3A_468 = arith.addi %iota3A_463, %iota3A_463 : vector<512x1024xi32>
    %add3A_469 = arith.constant 1 : i32
    %add3A_470 = vector.broadcast %add3A_469 : i32 to vector<512x1024xi32>
    %add3A_471 = arith.addi %add3A_468, %add3A_470 : vector<512x1024xi32>
    %eq3A_472 = arith.cmpi eq, %iota3A_464, %add3A_471 : vector<512x1024xi32>
    %convert_element_type3A_473 = arith.extui %eq3A_472 : vector<512x1024xi1> to vector<512x1024xi32>
    %convert_element_type3A_474 = arith.sitofp %convert_element_type3A_473 : vector<512x1024xi32> to vector<512x1024xf32>
    %dot_general3A_475 = arith.constant dense<0.000000e+00> : vector<512x64xf32>
    %dot_general3A_476 = tpu.matmul %convert_element_type3A_467, %get3A_1, %dot_general3A_475 {dimension_numbers = #tpu.dot_dimension_numbers<[1], [0], [0], [1], [0, 0, 1, 1], [], []>, transpose_lhs_hint = false} : vector<512x1024xf32>, vector<1024x64xf32>, vector<512x64xf32> -> vector<512x64xf32>
    %dot_general3A_477 = arith.constant dense<0.000000e+00> : vector<512x64xf32>
    %dot_general3A_478 = tpu.matmul %convert_element_type3A_474, %get3A_1, %dot_general3A_477 {dimension_numbers = #tpu.dot_dimension_numbers<[1], [0], [0], [1], [0, 0, 1, 1], [], []>, transpose_lhs_hint = false} : vector<512x1024xf32>, vector<1024x64xf32>, vector<512x64xf32> -> vector<512x64xf32>
    %concatenate3A = tpu.concatenate %dot_general3A_476, %dot_general3A_478 in 1 : vector<512x64xf32>, vector<512x64xf32> -> vector<512x128xf32>
    %swap3A_479 = arith.constant 0 : index
    %swap3A_480 = arith.constant 0 : index
    %swap3A_481 = vector.load %arg4[%swap3A_479, %swap3A_480] : memref<512x128xf32, #tpu.memory_space<vmem>>, vector<512x128xf32>
    tpu.vector_store %arg4[%swap3A_479, %swap3A_480], %concatenate3A {strides = array<i32>} : memref<512x128xf32, #tpu.memory_space<vmem>>, vector<512x128xf32>,
    return
  }
}

</mosaic_0001>

<sc_bundles>
// kernel: kernel.4.cloned.1.call-start
scs
__scs_entry_jumppad:
0x0: {  	(pc) =	sbr.rel $0x88, $3  }
0x1: {  	(tag) =	ssettag $0x0;
	lr =	simm.s32 $0x1  }
0x2: {  	[smem:$0x3F9F] =	sst lr;
	_ =	strace $0xD0000000  }
0x3: {  	_ = 	snop  }
0x4: {  	_ = 	snop  }
0x5: {  	_ = 	snop  }
0x6: {  	_ = 	snop  }
0x7: {  	_ = 	snop  }
__scs_overlays_trampoline_lowered:
0x8: {  	[smem:$0x3FAE] =	sst s0  }
0x9: {  	[smem:$0x3FAF] =	sst s1  }
0xa: {  	[smem:$0x3FB0] =	sst s2  }
0xb: {  	[smem:$0x3FB1] =	sst s3  }
0xc: {  	[smem:$0x3FB2] =	sst s4  }
0xd: {  	[smem:$0x3FB3] =	sst s5  }
0xe: {  	[smem:$0x3FB4] =	sst s6  }
0xf: {  	[smem:$0x3FB5] =	sst s7  }
0x10: {  	[smem:$0x3FB6] =	sst s8  }
0x11: {  	[smem:$0x3FB7] =	sst s9;
	s0 =	simm.s32 @!p0 $0x0  }
0x12: {  	s1 =	sld [smem:$0x3F9D];
	s0 =	simm.s32 @p0 $0x1  }
0x13: {  	[smem:$0x3FB8] =	sst s0;
	s0 =	simm.s32 @!p1 $0x0  }
0x14: {  	s2 =	sld [smem:$0x3F9C];
	s0 =	simm.s32 @p1 $0x1  }
0x15: {  	[smem:$0x3FB9] =	sst s0;
	s0 =	simm.s32 @!p2 $0x0  }
0x16: {  	s3 =	sld [smem:$0x3FDB];
	s0 =	simm.s32 @p2 $0x1  }
0x17: {  	s4 =	simm.s32 $0x1BF5;
	[smem:$0x3FBB] =	sst s0  }
0x18: {  	s0 =	sld [smem:$0x3F9E];
	_ =	swait.ge [sflag:s4], $0x0  }
0x19: {  	s7 =	sld [smem:$0x3F9F]  }
0x1a: {  	s8 =	sadd.s32 $0xFFFFE003, lr  }
0x1b: {  	s9 =	sadd.s32 $0xFFFFFEF7, lr;
	s5 =	simm.s32 $0xFFFFFFFF;
	p2 =	slt.u32 s8, $0xFFFFF086  }
0x1c: {  	p1 =	slt.u32 s9, $0xF7A;
	s5 =	simm.s32 @!p2 $0x0  }
0x1d: {  	s5 =	simm.s32 @p1 $0x1;
	p0 =	seq.s32 s7, s2  }
0x1e: {  	s7 =	smul.u32 @!p0 $0xF7A, s2;
	p2 =	seq.s32 @!p0 s5, $0x0  }
0x1f: {  	s9 =	smul.u32 $0xF7A, s1;
	s8 =	simm.s32 @!p0 $0x1BF5;
	p2 =	por !p2, p0  }
0x20: {  	[sflag:s8] =	ssyncset.s32 @!p0 $0xFFFFF086;
	s6 =	sadd.s32 @!p0 s3, s7;
	s7 =	simm.s32 @!p0 $0x108  }
0x21: {  	s3 =	sadd.s32 s3, s9;
	s6 =	sadd.s32 @!p0 $0x88, s6;
	s7 =	simm.s32 @p2 $0x1082  }
0x22: {  	[simem:s7], [sflag:s8] =	dma.local @!p0 [hbm:s6], $0xF7A  }
0x23: {  	s9 =	sor.u32 $0xD0000000, s2;
	s6 =	simm.s32 $0x108;
	_ =	swait.ge @!p0 [sflag:s8], $0x0  }
0x24: {  	s3 =	sadd.s32 $0x88, s3;
	s6 =	simm.s32 @!p1 $0x1082;
	[sflag:s4] =	ssyncset.s32 $0xFFFFF086  }
0x25: {  	[simem:s6], [sflag:s4] =	dma.local [hbm:s3], $0xF7A  }
0x26: {  	[smem:$0x3F9F] =	sst s1;
	(tag) =	ssettag s2;
	_ =	strace s9  }
0x27: {  	s1 =	sld [smem:$0x3FAF]  }
0x28: {  	s2 =	sld [smem:$0x3FB0]  }
0x29: {  	s4 =	sld [smem:$0x3FB2]  }
0x2a: {  	p0 =	seq.s32 s5, $0x0;
	s5 =	sld [smem:$0x3FB3]  }
0x2b: {  	s6 =	sld [smem:$0x3FB4]  }
0x2c: {  	s7 =	sld [smem:$0x3FB5]  }
0x2d: {  	s3 =	simm.s32 $0x108;
	s8 =	sld [smem:$0x3FB6]  }
0x2e: {  	s3 =	simm.s32 @!p0 $0x1082;
	s9 =	sld [smem:$0x3FB7]  }
0x2f: {  	lr =	sadd.s32 s0, s3;
	s0 =	sld [smem:$0x3FAE]  }
0x30: {  	s3 =	sld [smem:$0x3FB1]  }
0x31: {  	[smem:$0x3FBA] =	sst s10  }
0x32: {  	s10 =	sld [smem:$0x3FB8];
	_ =	sdelay $0x3  }
0x33: {  	p0 =	seq.s32 s10, $0x1;
	s10 =	sld [smem:$0x3FBA];
	_ =	sdelay $0x3  }
0x34: {  	[smem:$0x3FBA] =	sst s10  }
0x35: {  	s10 =	sld [smem:$0x3FB9];
	_ =	sdelay $0x3  }
0x36: {  	p1 =	seq.s32 s10, $0x1;
	s10 =	sld [smem:$0x3FBA];
	_ =	sdelay $0x3  }
0x37: {  	[smem:$0x3FBA] =	sst s10  }
0x38: {  	s10 =	sld [smem:$0x3FBB]  }
0x39: {  	_ = 	snop;
	(pc) =	sbr.ind lr, $3  }
0x3a: {  	_ = 	snop  }
0x3b: {  	_ = 	snop  }
0x3c: {  	p2 =	seq.s32 s10, $0x1;
	s10 =	sld [smem:$0x3FBA]  }
0x3d: {  	_ =	shalt  }
0x3e: {  	_ =	shalt  }
0x3f: {  	_ =	shalt  }
0x40: {  	_ =	shalt  }
0x41: {  	_ =	shalt  }
0x42: {  	_ =	shalt  }
0x43: {  	_ =	shalt  }
0x44: {  	_ =	shalt  }
0x45: {  	_ =	shalt  }
0x46: {  	_ =	shalt  }
0x47: {  	_ =	shalt  }
0x48: {  	_ =	shalt  }
0x49: {  	_ =	shalt  }
0x4a: {  	_ =	shalt  }
0x4b: {  	_ =	shalt  }
0x4c: {  	_ =	shalt  }
0x4d: {  	_ =	shalt  }
0x4e: {  	_ =	shalt  }
0x4f: {  	_ =	shalt  }
0x50: {  	_ =	shalt  }
0x51: {  	_ =	shalt  }
0x52: {  	_ =	shalt  }
0x53: {  	_ =	shalt  }
0x54: {  	_ =	shalt  }
0x55: {  	_ =	shalt  }
0x56: {  	_ =	shalt  }
0x57: {  	_ =	shalt  }
0x58: {  	_ =	shalt  }
0x59: {  	_ =	shalt  }
0x5a: {  	_ =	shalt  }
0x5b: {  	_ =	shalt  }
0x5c: {  	_ =	shalt  }
0x5d: {  	_ =	shalt  }
0x5e: {  	_ =	shalt  }
0x5f: {  	_ =	shalt  }
0x60: {  	_ =	shalt  }
0x61: {  	_ =	shalt  }
0x62: {  	_ =	shalt  }
0x63: {  	_ =	shalt  }
0x64: {  	_ =	shalt  }
0x65: {  	_ =	shalt  }
0x66: {  	_ =	shalt  }
0x67: {  	_ =	shalt  }
0x68: {  	_ =	shalt  }
0x69: {  	_ =	shalt  }
0x6a: {  	_ =	shalt  }
0x6b: {  	_ =	shalt  }
0x6c: {  	_ =	shalt  }
0x6d: {  	_ =	shalt  }
0x6e: {  	_ =	shalt  }
0x6f: {  	_ =	shalt  }
0x70: {  	_ =	shalt  }
0x71: {  	_ =	shalt  }
0x72: {  	_ =	shalt  }
0x73: {  	_ =	shalt  }
0x74: {  	_ =	shalt  }
0x75: {  	_ =	shalt  }
0x76: {  	_ =	shalt  }
0x77: {  	_ =	shalt  }
0x78: {  	_ =	shalt  }
0x79: {  	_ =	shalt  }
0x7a: {  	_ =	shalt  }
0x7b: {  	_ =	shalt  }
0x7c: {  	_ =	shalt  }
0x7d: {  	_ =	shalt  }
0x7e: {  	_ =	shalt  }
0x7f: {  	_ =	shalt  }
0x80: {  	_ =	shalt  }
0x81: {  	_ =	shalt  }
0x82: {  	_ =	shalt  }
0x83: {  	_ =	shalt  }
0x84: {  	_ =	shalt  }
0x85: {  	_ =	shalt  }
0x86: {  	_ =	shalt  }
0x87: {  	_ =	shalt  }
.Lfunc_end0:
.L_simem_size_0:
called_computation_lowered:
.L_overlay_start_0:
0x88: {  	s2 =	sld [smem:$0x3FD9]  }
0x89: {  	s3 =	sld [smem:$0x3FFE];
	_ =	sdelay $0x1  }
0x8a: {  	s1 =	srdreg.scid  }
0x8b: {  	s0 =	sand.u32 $0x1, s1  }
0x8c: {  	s14 =	sshll.u32 s0, $0xA;
	s2 =	sadd.s32 s3, s2  }
0x8d: {  	s2 =	sadd.s32 s2, s14  }
0x8e: {  	[smem:$0x3FC6] =	sst s2  }
0x8f: {  	_ = 	snop  }
0x90: {  	s2 =	sld [smem:$0x3FD0];
	_ =	sdelay $0x2  }
0x91: {  	s15 =	simm.s32 $0xA;
	s4 =	simm.s32 $0x10  }
0x92: {  	[smem:s4], [sflag:s15] =	dma.local [hbm:s2], $0x1  }
0x93: {  	_ =	swait.eq [sflag:s15], $0x1  }
0x94: {  	[sflag:s15] =	ssyncset.done $0x0  }
0x95: {  	[sflag:s15] =	ssyncadd.s32 $0xFFFFFFFF  }
0x96: {  	s16 =	sld [smem:$0x10];
	(tm) =	ssettm $0x1  }
0x97: {  	s17 =	sld [smem:$0x3FFB];
	_ =	sdelay $0x3  }
0x98: {  	_ =	strace s17  }
0x99: {  	s3 =	sld [smem:$0x3FFC];
	_ =	sdelay $0x3  }
0x9a: {  	_ =	strace s3  }
0x9b: {  	s3 =	sld [smem:$0x3FFD];
	_ =	sdelay $0x3  }
0x9c: {  	_ =	strace s3  }
0x9d: {  	_ =	strace $0x8FFFFFFF  }
0x9e: {  	s18 =	sld [smem:$0x3FDB];
	_ =	sdelay $0x1  }
0x9f: {  	s19 =	simm.s32 $_scs_section_size  }
0xa0: {  	s5 =	simm.s32 $_size__tile_overlayer_lowered;
	s6 =	simm.s32 $_tile_overlayer_lowered  }
0xa1: {  	s22 =	simm.s32 $0x1BFF;
	s21 =	sshll.u32 s6, $0x1;
	s3 =	sadd.s32 s19, s18  }
0xa2: {  	s7 =	simm.s32 $0x0;
	s20 =	sshll.u32 s5, $0x1;
	s5 =	sadd.s32 s21, s3  }
0xa3: {  	[timem:s7], [sflag:s22] =	dma.local [hbm:s5], s20  }
0xa4: {  	_ =	swait.ge [sflag:s22], s20  }
0xa5: {  	s4 =	ssub.s32 $0x0, s20;
	[sflag:s22] =	ssyncset.done $0x0  }
0xa6: {  	[sflag:s22] =	ssyncadd.s32 s4;
	_ =	sdelay $0x1  }
0xa7: {  	s23 =	simm.s32 $0x1B8B  }
0xa8: {  	_ =	swait.ge [sflag:s23], $0x1  }
0xa9: {  	[sflag:s23] =	ssyncset.done $0x0  }
0xaa: {  	s25 =	simm.s32 $0x1B8E;
	s24 =	sld [smem:$0x3FFE];
	[sflag:s23] =	ssyncadd.s32 $0xFFFFFFFF  }
0xab: {  	s26 =	simm.s32 $execute0_lowered;
	[smem:$0x3FD2] =	sst s25  }
0xac: {  	s5 =	sshll.u32 s26, $0x1;
	_ =	strace $0x80000046;
	[dreg:$0x1] =	wrdreg $0xFFFFFFFF  }
0xad: {  	s28 =	simm.s32 $_size_execute0_lowered;
	s3 =	sadd.s32 s3, s5;
	[dreg:$0x0] =	wrdreg $0x0  }
0xae: {  	s5 =	sshll.u32 s28, $0x1;
	[dreg:$0x2] =	wrdreg s3  }
0xaf: {  	[dreg:$0x3] =	wrdreg s5  }
0xb0: {  	[dreg:$0x4] =	wrdreg $0xC0  }
0xb1: {  	_ =	task [dreg:s7], $0x5FFFF  }
0xb2: {  	[dreg:$0x1] =	wrdreg $0xFFFFFFFF  }
0xb3: {  	[dreg:$0x0] =	wrdreg $0x60  }
0xb4: {  	[dreg:$0x2] =	wrdreg s24  }
0xb5: {  	[dreg:$0x3] =	wrdreg s16  }
0xb6: {  	[dreg:$0x4] =	wrdreg $0x9  }
0xb7: {  	_ =	task.clear_ibuf [dreg:s7], $0x5FFFF;
	_ =	strace $0x90000046  }
0xb8: {  	s29 =	simm.s32 $0x9;
	_ =	strace $0x80000048  }
0xb9: {  	_ =	swait.ge [sflag:s29], $0x1  }
0xba: {  	[sflag:s29] =	ssyncadd.s32 $0xFFFFFFFF  }
0xbb: {  	_ =	strace $0x90000048  }
0xbc: {  	_ =	sfence  }
0xbd: {  	s30 =	sld [smem:$0x0];
	_ =	sdelay $0x2  }
0xbe: {  	s31 =	sshll.u32 s1, $0xD;
	s1 =	sshrl.u32 s1, $0x2  }
0xbf: {  	s3 =	sand.u32 $0x4000, s31;
	s1 =	sadd.s32 s1, s30  }
0xc0: {  	s0 =	sor.u32 s3, s0;
	s1 =	sshll.u32 s1, $0x11  }
0xc1: {  	s0 =	sor.u32 s1, s0  }
0xc2: {  	s0 =	sadd.s32 $0x8F2B, s0  }
0xc3: {  	[sflag:s0] =	ssyncadd.remote.s32 $0x1  }
0xc4: {  	_ =	sfence.sel $0xFFFF  }
0xc5: {  	[dreg:$0x0] =	wrdreg $0xFFFFFFFF;
	(pc) =	sbr.abs _section_cstart, $3  }
0xc6: {  	[dreg:$0x1] =	wrdreg $0xFFFFFFFF  }
0xc7: {  	_ =	task.clear_ibuf [dreg:s7], $0x2FFFF;
	_ =	strace $0x9FFFFFFF  }
0xc8: {  	(tm) =	ssettm $0x7FFFFFFF  }
0xc9: {  	_ =	shalt  }
tec
execute0_lowered:
.L_overlay_start_1:
0x0: {  	(tag) =	ssettag $0x1  }
0x1: {  	s1 =	srdreg.scid;
	s0 =	stileid.u32  }
0x2: {  	s12 =	sand.u32 $0x1, s1;
	s28 =	sshll.u32 s0, $0x1  }
0x3: {  	s5 =	rddreg [dreg:$0x0];
	s8 =	sor.u32 s12, s28  }
0x4: {  	s13 =	rddreg [dreg:$0x1];
	s3 =	smul.u32 $0x24, s8  }
0x5: {  	s2 =	simm.s32 $0x0;
	s1 =	rddreg [dreg:$0x2]  }
0x6: {  	[smem:$0x7FF] =	sst s2;
	s3 =	sadd.s32 s3, s5  }
0x7: {  	_ =	strace $0x80000047;
	s4 =	sadd.s32 $0x2A00, s3;
	s3 =	simm.s32 $0x2  }
0x8: {  	[tilespmem:s2], [sflag:$0x2] =	stream.linear.gather [hbm4b:s4+s2], $0x120, $0x38;
	[tilespmem:$0x4920] =	vst v63  }
0x9: {  	s6 =	simm.s32 $0x60;
	s7 =	simm.s32 $0x120;
	_ =	swait.ge [sflag:s3], $0x120  }
0xa: {  	s9 =	simm.s32 $0x1;
	p0 =	seq.s32 s12, $0x1;
	[sflag:s3] =	ssyncset.done $0x0  }
0xb: {  	p1 =	seq.s32 s8, $0x0;
	s5 =	sadd.s32 $0xA00, s5;
	[sflag:s3] =	ssyncadd.s32 $0xFFFFFEE0  }
0xc: {  	[tilespmem:s7], [sflag:$0x1] =	stream.indirect.gather [hbm4b:s5+s6], $0x40, s2, s6, $0xb8;
	[tilespmem:$0x4920] =	vst v63  }
0xd: {  	s10 =	simm.s32 $0xC0;
	s8 =	simm.s32 $0x1920;
	p1 =	por !p1, !p0  }
0xe: {  	[tilespmem:s8], [sflag:$0x1] =	stream.indirect.gather [hbm4b:s5+s6], $0x40, s6, s6, $0xb8;
	[tilespmem:$0x4920] =	vst v63  }
0xf: {  	s11 =	simm.s32 $0x3120;
	s14 =	simm.s32 $0x1;
	p1 =	por !p1, !p1  }
0x10: {  	[tilespmem:s11], [sflag:$0x1] =	stream.indirect.gather [hbm4b:s5+s6], $0x40, s10, s6, $0xb8;
	[tilespmem:$0x4920] =	vst v63  }
0x11: {  	s14 =	simm.s32 @!p1 $0x0;
	_ =	swait.ge [sflag:s9], $0x1800  }
0x12: {  	s15 =	simm.s32 $0x4800;
	s14 =	ssub.s32 s0, s14;
	[sflag:s9] =	ssyncset.done $0x0  }
0x13: {  	s12 =	ssub.s32 $0x2, s12;
	s14 =	smul.u32 $0x9000, s14;
	[sflag:s9] =	ssyncadd.s32 $0xFFFFE800  }
0x14: {  	s15 =	simm.s32 @!p0 $0x0;
	s29 =	sshrl.u32 s12, $0x1;
	_ =	swait.ge [sflag:s9], $0x1800  }
0x15: {  	s14 =	sadd.s32 s15, s14;
	s15 =	ssub.s32 s12, s29;
	[sflag:s9] =	ssyncset.done $0x0  }
0x16: {  	s31 =	smax.u32 s15, $0x1;
	[sflag:s9] =	ssyncadd.s32 $0xFFFFE800  }
0x17: {  	p0 =	sne.s32 s31, $0x1;
	_ =	swait.ge [sflag:s9], $0x1800  }
.Ltmp0:
0x18: {  	s30 =	sshrl.u32 s14, $0x3;
	[sflag:s9] =	ssyncset.done $0x0;
	(pc) =	sbr.rel @!p0 .LBB2_2-.Ltmp0, $4  }
0x19: {  	s12 =	sadd.s32 s13, s30;
	[sflag:s9] =	ssyncadd.s32 $0xFFFFE800  }
0x1a: {  	[hbm4b:s12+s2] =	stream.linear.scatter [tilespmem:s7], [sflag:$0x2], $0x4800, $0x38;
	[tilespmem:$0x4920] =	vst v63  }
0x1b: {  	_ =	swait.ge [sflag:s3], $0x4800  }
0x1c: {  	s13 =	sadd.s32 $0xFFFFFFFF, s31;
	[sflag:s3] =	ssyncset.done $0x0  }
.LBB2_1:
0x1d: {  	p0 =	sne.s32 s13, $0x1;
	s13 =	sadd.s32 $0xFFFFFFFF, s13;
	[sflag:s3] =	ssyncadd.s32 $0xFFFFB800  }
0x1e: {  	[tilespmem:s2], [sflag:$0x2] =	stream.linear.gather [hbm4b:s4+s2], $0x120, $0x38;
	[tilespmem:$0x4920] =	vst v63  }
0x1f: {  	_ =	swait.ge [sflag:s3], $0x120  }
0x20: {  	[sflag:s3] =	ssyncset.done $0x0  }
0x21: {  	[sflag:s3] =	ssyncadd.s32 $0xFFFFFEE0  }
0x22: {  	[tilespmem:s7], [sflag:$0x1] =	stream.indirect.gather [hbm4b:s5+s6], $0x40, s2, s6, $0xb8;
	[tilespmem:$0x4920] =	vst v63  }
0x23: {  	_ = 	snop  }
0x24: {  	[tilespmem:s8], [sflag:$0x1] =	stream.indirect.gather [hbm4b:s5+s6], $0x40, s6, s6, $0xb8;
	[tilespmem:$0x4920] =	vst v63  }
0x25: {  	_ = 	snop  }
0x26: {  	[tilespmem:s11], [sflag:$0x1] =	stream.indirect.gather [hbm4b:s5+s6], $0x40, s10, s6, $0xb8;
	[tilespmem:$0x4920] =	vst v63  }
0x27: {  	_ =	swait.ge [sflag:s9], $0x1800  }
0x28: {  	[sflag:s9] =	ssyncset.done $0x0  }
0x29: {  	[sflag:s9] =	ssyncadd.s32 $0xFFFFE800  }
0x2a: {  	_ =	swait.ge [sflag:s9], $0x1800  }
0x2b: {  	[sflag:s9] =	ssyncset.done $0x0  }
0x2c: {  	[sflag:s9] =	ssyncadd.s32 $0xFFFFE800  }
0x2d: {  	_ =	swait.ge [sflag:s9], $0x1800  }
.Ltmp1:
0x2e: {  	[sflag:s9] =	ssyncset.done $0x0;
	(pc) =	sbr.rel @p0 .LBB2_1-.Ltmp1, $4  }
0x2f: {  	[sflag:s9] =	ssyncadd.s32 $0xFFFFE800  }
0x30: {  	[hbm4b:s12+s2] =	stream.linear.scatter [tilespmem:s7], [sflag:$0x2], $0x4800, $0x38;
	[tilespmem:$0x4920] =	vst v63  }
0x31: {  	_ =	swait.ge [sflag:s3], $0x4800  }
0x32: {  	[sflag:s3] =	ssyncset.done $0x0  }
.LBB2_2:
0x33: {  	[sflag:s3] =	ssyncadd.s32 $0xFFFFB800  }
0x34: {  	_ =	sfence.sel $0x180000  }
0x35: {  	[bflag:$0x0] =	sbarrier.arrive $0xFFFF  }
0x36: {  	p0 =	sne.s32 s0, $0x0;
	_ =	strace $0x90000047  }
0x37: {  	s0 =	sadd.s32 @!p0 $0x100000, s1;
	[bflag:$0x2] =	sbarrier.arrive $0xFFFF  }
0x38: {  	[sflag:s0] =	ssyncadd.tile.s32 @!p0 $0x1;
	_ =	shalt  }
.Lfunc_end2:
_tile_overlayer_lowered:
.L_overlay_start_2:
0x39: {  	(tag) =	ssettag $0x2  }
0x3a: {  	s0 =	rddreg [dreg:$0x0];
	s2 =	stileid.u32  }
0x3b: {  	s1 =	rddreg [dreg:$0x1];
	p0 =	sne.s32 s2, $0x0  }
0x3c: {  	s3 =	rddreg [dreg:$0x2];
	[bflag:$0x3] =	sbarrier.arrive $0xFFFF;
	s2 =	simm.s32 @!p0 $0x1C02  }
0x3d: {  	[timem:s3], [sflag:s2] =	dma.local @!p0 [hbm:s0], s1  }
0x3e: {  	s0 =	simm.s32 @!p0 $0x2  }
0x3f: {  	_ =	swait.ge @!p0 [sflag:s0], s1  }
0x40: {  	s1 =	ssub.s32 @!p0 $0x0, s1;
	[sflag:s0] =	ssyncset.done @!p0 $0x0  }
0x41: {  	[sflag:s0] =	ssyncadd.s32 @!p0 s1  }
0x42: {  	[bflag:$0x3] =	sbarrier.arrive $0xFFFF  }
0x43: {  	_ =	shalt  }

</sc_bundles>
